<compile_context>
chip_gen: v7x
topology: tpu7x:2x2x1
jax: 0.10.2.dev20260603
libtpu: 0.0.44.dev20260713+nightly
codegen_flags: <defaults>
</compile_context>

<pallas_src>
import functools

import jax
import jax.numpy as jnp
from jax import lax
from jax.experimental import pallas as pl
from jax.experimental.pallas import tpu as pltpu
from jax.experimental.pallas import tpu_sc as plsc

N = 50000
E = 800000
D = 128
H = 64
C = 4
G = 128

HH = H // 2
HQ = H // 4
R = 400
NB = N // R

NP = 50176
STRIPE0 = NP // 16
EPC = E // 2
EPT0 = EPC // 16
K0C = 40
CH0 = EPT0 // K0C

NPA = 50048
EPT = E // 16
KE = 80
CH = EPT // KE
STRIPE = NPA // 16

_sc_mesh = plsc.VectorSubcoreMesh(core_axis_name="c", subcore_axis_name="s")


@functools.partial(
    pl.kernel,
    mesh=_sc_mesh,
    out_type=[
        jax.ShapeDtypeStruct((NP,), jnp.float32),
        jax.ShapeDtypeStruct((NP,), jnp.float32),
    ],
    scratch_types=[
        pltpu.VMEM((K0C,), jnp.int32),
        pltpu.VMEM((K0C,), jnp.float32),
        pltpu.VMEM((STRIPE0,), jnp.float32),
        pltpu.VMEM_SHARED((NP,), jnp.float32),
    ],
    compiler_params=pltpu.CompilerParams(use_tc_tiling_on_sc=False),
)
def _deg_kernel(dst_hbm, ones_hbm, deg0_hbm, deg1_hbm, idx_v, ones_v, stage, acc):
    c = lax.axis_index("c")
    s = lax.axis_index("s")

    zero16 = jnp.zeros((16,), jnp.float32)

    def zbody(r, carry):
        stage[pl.ds(r * 16, 16)] = zero16
        return carry

    lax.fori_loop(0, STRIPE0 // 16, zbody, 0)
    pltpu.sync_copy(stage, acc.at[pl.ds(s * STRIPE0, STRIPE0)])
    pltpu.sync_copy(ones_hbm, ones_v)
    plsc.subcore_barrier()

    def body(i, carry):
        base = c * EPC + s * EPT0 + i * K0C
        pltpu.sync_copy(dst_hbm.at[pl.ds(base, K0C)], idx_v)
        pltpu.sync_copy(ones_v, acc.at[idx_v], add=True)
        return carry

    lax.fori_loop(0, CH0, body, 0)
    plsc.subcore_barrier()
    pltpu.sync_copy(acc.at[pl.ds(s * STRIPE0, STRIPE0)], stage)

    @pl.when(c == 0)
    def _():
        pltpu.sync_copy(stage, deg0_hbm.at[pl.ds(s * STRIPE0, STRIPE0)])

    @pl.when(c == 1)
    def _():
        pltpu.sync_copy(stage, deg1_hbm.at[pl.ds(s * STRIPE0, STRIPE0)])


@functools.partial(
    pl.kernel,
    mesh=_sc_mesh,
    out_type=[jax.ShapeDtypeStruct((NPA, HQ), jnp.float32) for _ in range(4)],
    scratch_types=[
        pltpu.VMEM((KE,), jnp.int32),
        pltpu.VMEM((KE,), jnp.int32),
        pltpu.VMEM((KE, HQ), jnp.float32),
        pltpu.VMEM((STRIPE, HQ), jnp.float32),
        pltpu.VMEM_SHARED((NPA, HQ), jnp.float32),
        pltpu.SemaphoreType.DMA,
    ],
    compiler_params=pltpu.CompilerParams(use_tc_tiling_on_sc=False),
)
def _agg_kernel(yq0_hbm, yq1_hbm, yq2_hbm, yq3_hbm, src_hbm, dst_hbm,
                out0_hbm, out1_hbm, out2_hbm, out3_hbm,
                idx_s, idx_d, rows, stage, acc, sem):
    c = lax.axis_index("c")
    s = lax.axis_index("s")
    ys = (yq0_hbm, yq1_hbm, yq2_hbm, yq3_hbm)
    outs = (out0_hbm, out1_hbm, out2_hbm, out3_hbm)

    zero16 = jnp.zeros((16,), jnp.float32)

    for h in range(2):
        def zbody(r, carry):
            stage[r, pl.ds(0, 16)] = zero16
            return carry

        lax.fori_loop(0, STRIPE, zbody, 0)
        pltpu.sync_copy(stage, acc.at[pl.ds(s * STRIPE, STRIPE), :])
        plsc.subcore_barrier()

        def body(i, carry):
            base = s * EPT + i * KE
            pltpu.sync_copy(src_hbm.at[pl.ds(base, KE)], idx_s)
            pltpu.sync_copy(dst_hbm.at[pl.ds(base, KE)], idx_d)

            @pl.when(c == 0)
            def _():
                pltpu.async_copy(ys[h].at[idx_s], rows, sem).wait()

            @pl.when(c == 1)
            def _():
                pltpu.async_copy(ys[2 + h].at[idx_s], rows, sem).wait()

            pltpu.sync_copy(rows, acc.at[idx_d], add=True)
            return carry

        lax.fori_loop(0, CH, body, 0)
        plsc.subcore_barrier()
        pltpu.sync_copy(acc.at[pl.ds(s * STRIPE, STRIPE), :], stage)

        @pl.when(c == 0)
        def _():
            pltpu.sync_copy(stage, outs[h].at[pl.ds(s * STRIPE, STRIPE), :])

        @pl.when(c == 1)
        def _():
            pltpu.sync_copy(stage, outs[2 + h].at[pl.ds(s * STRIPE, STRIPE), :])


def _k1_body(x_ref, w1_ref, p0_ref, p1_ref, dinv_ref, *yq_refs):
    xw = jnp.dot(x_ref[...], w1_ref[...], preferred_element_type=jnp.float32)
    dv = lax.rsqrt(1.0 + p0_ref[0, 0, :] + p1_ref[0, 0, :])
    dinv_ref[0, 0, :] = dv
    y = xw * dv.reshape(R, 1)
    for q in range(4):
        yq_refs[q][...] = y[:, q * HQ:(q + 1) * HQ]


_k1 = pl.pallas_call(
    _k1_body,
    grid=(NB,),
    in_specs=[
        pl.BlockSpec((R, D), lambda i: (i, 0)),
        pl.BlockSpec((D, H), lambda i: (0, 0)),
        pl.BlockSpec((1, 1, R), lambda i: (i, 0, 0)),
        pl.BlockSpec((1, 1, R), lambda i: (i, 0, 0)),
    ],
    out_specs=[pl.BlockSpec((1, 1, R), lambda i: (i, 0, 0))]
    + [pl.BlockSpec((R, HQ), lambda i: (i, 0)) for _ in range(4)],
    out_shape=[jax.ShapeDtypeStruct((NB, 1, R), jnp.float32)]
    + [jax.ShapeDtypeStruct((N, HQ), jnp.float32) for _ in range(4)],
)


def _k3_body(a0, a1, a2, a3, y0, y1, y2, y3, dinv_ref, b1_ref, w2_ref,
             *yq_refs):
    dv = dinv_ref[0, 0, :].reshape(R, 1)
    h = jnp.concatenate(
        [a0[...] + y0[...], a1[...] + y1[...],
         a2[...] + y2[...], a3[...] + y3[...]], axis=1)
    h = jnp.maximum(h * dv + b1_ref[...], 0.0)
    xw = jnp.dot(h, w2_ref[...], preferred_element_type=jnp.float32)
    yy = xw * dv
    for q in range(4):
        yq_refs[q][...] = yy[:, q * HQ:(q + 1) * HQ]


_k3 = pl.pallas_call(
    _k3_body,
    grid=(NB,),
    in_specs=[pl.BlockSpec((R, HQ), lambda i: (i, 0)) for _ in range(8)]
    + [
        pl.BlockSpec((1, 1, R), lambda i: (i, 0, 0)),
        pl.BlockSpec((1, H), lambda i: (0, 0)),
        pl.BlockSpec((H, H), lambda i: (0, 0)),
    ],
    out_specs=[pl.BlockSpec((R, HQ), lambda i: (i, 0)) for _ in range(4)],
    out_shape=[jax.ShapeDtypeStruct((N, HQ), jnp.float32) for _ in range(4)],
)


def _k5_body(a0, a1, a2, a3, y0, y1, y2, y3, dinv_ref, b2_ref, batch_ref,
             wl_ref, bl_ref, out_ref, g_acc):
    i = pl.program_id(0)
    dv = dinv_ref[0, 0, :].reshape(R, 1)
    h = jnp.concatenate(
        [a0[...] + y0[...], a1[...] + y1[...],
         a2[...] + y2[...], a3[...] + y3[...]], axis=1)
    h = jnp.maximum(h * dv + b2_ref[...], 0.0)
    b = batch_ref[0, 0, :]
    onehot = (b[:, None] == lax.broadcasted_iota(jnp.int32, (R, G), 1)
              ).astype(jnp.float32)
    gpart = lax.dot_general(onehot, h, (((0,), (0,)), ((), ())),
                            preferred_element_type=jnp.float32)

    @pl.when(i == 0)
    def _():
        g_acc[...] = gpart

    @pl.when(i > 0)
    def _():
        g_acc[...] += gpart

    @pl.when(i == NB - 1)
    def _():
        out_ref[...] = jnp.dot(g_acc[...], wl_ref[...],
                               preferred_element_type=jnp.float32) + bl_ref[...]


_k5 = pl.pallas_call(
    _k5_body,
    grid=(NB,),
    in_specs=[pl.BlockSpec((R, HQ), lambda i: (i, 0)) for _ in range(8)]
    + [
        pl.BlockSpec((1, 1, R), lambda i: (i, 0, 0)),
        pl.BlockSpec((1, H), lambda i: (0, 0)),
        pl.BlockSpec((1, 1, R), lambda i: (i, 0, 0)),
        pl.BlockSpec((H, C), lambda i: (0, 0)),
        pl.BlockSpec((1, C), lambda i: (0, 0)),
    ],
    out_specs=pl.BlockSpec((G, C), lambda i: (0, 0)),
    out_shape=jax.ShapeDtypeStruct((G, C), jnp.float32),
    scratch_shapes=[pltpu.VMEM((G, H), jnp.float32)],
)


def kernel(x, edge_index, batch, W1, b1, W2, b2, Wl, bl):
    src = edge_index[0]
    dst = edge_index[1]

    ones0 = jnp.ones((K0C,), jnp.float32)

    deg0, deg1 = _deg_kernel(dst, ones0)
    p0 = deg0[:N].reshape(NB, 1, R)
    p1 = deg1[:N].reshape(NB, 1, R)

    dinv3, *y1q = _k1(x, W1, p0, p1)
    a1q = _agg_kernel(*y1q, src, dst)
    y2q = _k3(*[a[:N] for a in a1q], *y1q, dinv3, b1.reshape(1, H), W2)
    a2q = _agg_kernel(*y2q, src, dst)
    out = _k5(*[a[:N] for a in a2q], *y2q, dinv3, b2.reshape(1, H),
              batch.reshape(NB, 1, R), Wl, bl.reshape(1, C))
    return out

# --- scband reference (transcript-rebuilt; emitter-appended) ---
"""Pipeline reference for scband-toy-gcn-32280974197287 (READ-ONLY COPY).

The authoritative reference and input builder live on the scoring server;
editing this copy changes nothing except your own understanding.
"""

import jax, jax.numpy as jnp
import numpy as np

N = 50000
E = 800000
D = 128
H = 64
C = 4
G = 128

def setup_inputs(seed: int = 0):
    key = jax.random.key(seed)
    ks = jax.random.split(key, 9)
    x = jax.random.normal(ks[0], (N, D), dtype=jnp.float32)
    edge_index = jax.random.randint(ks[1], (2, E), 0, N, dtype=jnp.int32)
    batch = jnp.sort(jax.random.randint(ks[2], (N,), 0, G, dtype=jnp.int32))
    W1 = jax.random.normal(ks[3], (D, H), dtype=jnp.float32) * (1.0 / np.sqrt(D))
    b1 = jnp.zeros((H,), dtype=jnp.float32)
    W2 = jax.random.normal(ks[4], (H, H), dtype=jnp.float32) * (1.0 / np.sqrt(H))
    b2 = jnp.zeros((H,), dtype=jnp.float32)
    Wl = jax.random.normal(ks[5], (H, C), dtype=jnp.float32) * (1.0 / np.sqrt(H))
    bl = jnp.zeros((C,), dtype=jnp.float32)
    return {"x": x, "edge_index": edge_index, "batch": batch, "W1": W1, "b1": b1, "W2": W2, "b2": b2, "Wl": Wl, "bl": bl}

def gcn_conv(x, src, dst, W, b):
    # PyG-style GCNConv: linear transform, add self-loops, sym-normalized scatter-add
    n = x.shape[0]
    xw = x @ W
    loop = jnp.arange(n, dtype=src.dtype)
    s = jnp.concatenate([src, loop])
    d = jnp.concatenate([dst, loop])
    deg = jnp.zeros((n,), xw.dtype).at[d].add(1.0)
    dinv = 1.0 / jnp.sqrt(deg)  # deg >= 1 due to self-loops
    norm = dinv[s] * dinv[d]
    out = jnp.zeros((n, xw.shape[1]), xw.dtype).at[d].add(norm[:, None] * xw[s])
    return out + b

def reference(x, edge_index, batch, W1, b1, W2, b2, Wl, bl):
    src = edge_index[0]
    dst = edge_index[1]
    h = jax.nn.relu(gcn_conv(x, src, dst, W1, b1))
    h = jax.nn.relu(gcn_conv(h, src, dst, W2, b2))
    g = jax.ops.segment_sum(h, batch, num_segments=G)  # global_add_pool
    return g @ Wl + bl

if __name__ == "__main__":
    import jax
    _d = setup_inputs()
    print(jax.jit(kernel)(*tuple(_d.values())))

</pallas_src>

<mosaic_0001>
#map = affine_map<(d0, d1) -> (0, 0)>
#map1 = affine_map<(d0, d1) -> (0)>
module attributes {stable_mosaic.version = 14 : i64} {
  func.func @_agg_kernel(%arg0: i32, %arg1: i32, %arg2: memref<50000x16xf32, #tpu.memory_space<hbm>>, %arg3: memref<50000x16xf32, #tpu.memory_space<hbm>>, %arg4: memref<50000x16xf32, #tpu.memory_space<hbm>>, %arg5: memref<50000x16xf32, #tpu.memory_space<hbm>>, %arg6: memref<800000xi32, #tpu.memory_space<hbm>>, %arg7: memref<800000xi32, #tpu.memory_space<hbm>>, %arg8: memref<50048x16xf32, #tpu.memory_space<hbm>>, %arg9: memref<50048x16xf32, #tpu.memory_space<hbm>>, %arg10: memref<50048x16xf32, #tpu.memory_space<hbm>>, %arg11: memref<50048x16xf32, #tpu.memory_space<hbm>>, %arg12: memref<80xi32, #tpu.memory_space<vmem>>, %arg13: memref<80xi32, #tpu.memory_space<vmem>>, %arg14: memref<80x16xf32, #tpu.memory_space<vmem>>, %arg15: memref<3128x16xf32, #tpu.memory_space<vmem>>, %arg16: memref<50048x16xf32, #tpu.memory_space<vmem_shared>>, %arg17: memref<!tpu.dma_semaphore, #tpu.memory_space<semaphore_mem>>) attributes {dimension_semantics = [#tpu.dimension_semantics<core_parallel>, #tpu.dimension_semantics<subcore_parallel>], iteration_bounds = array<i64: 2, 16>, scalar_prefetch = 0 : i64, scratch_operands = 6 : i64, tpu.core_type = #tpu.core_type<sc_vector_subcore>, window_params = [{transform_indices = #map}, {transform_indices = #map}, {transform_indices = #map}, {transform_indices = #map}, {transform_indices = #map1}, {transform_indices = #map1}, {transform_indices = #map}, {transform_indices = #map}, {transform_indices = #map}, {transform_indices = #map}]} {
    %broadcast_in_dim3A = arith.constant 0.000000e+00 : f32
    %broadcast_in_dim3A_0 = vector.broadcast %broadcast_in_dim3A : f32 to vector<16xf32>
    %scan3A = arith.constant 0 : i32
    %scan3A_1 = arith.constant 0 : i32
    %scan3A_2 = arith.constant 3128 : i32
    %scan3A_3 = arith.addi %scan3A_1, %scan3A_2 : i32
    %scan3A_4 = arith.constant 1 : i32
    scf.for %scan3A_51 = %scan3A_1 to %scan3A_3 step %scan3A_4  : i32 {
      %swap3A = arith.index_cast %scan3A_51 : i32 to index
      %swap3A_52 = arith.constant 0 : index
      %swap3A_53 = tpu.vector_load %arg15[%swap3A, %swap3A_52] {strides = array<i32>} : memref<3128x16xf32, #tpu.memory_space<vmem>>, vector<1x16xf32>,
      %swap3A_54 = vector.shape_cast %swap3A_53 : vector<1x16xf32> to vector<16xf32>
      %swap3A_55 = vector.shape_cast %broadcast_in_dim3A_0 : vector<16xf32> to vector<1x16xf32>
      tpu.vector_store %arg15[%swap3A, %swap3A_52], %swap3A_55 {strides = array<i32>} : memref<3128x16xf32, #tpu.memory_space<vmem>>, vector<1x16xf32>,
    }
    %scan3A_5 = arith.constant 3128 : i32
    %mul3A = arith.constant 3128 : i32
    %mul3A_6 = arith.muli %arg1, %mul3A : i32
    "tpu.region"() ({
      %run_scoped3A = tpu.sem_alloc : memref<!tpu.dma_semaphore, #tpu.memory_space<semaphore_mem>>
      %dma_start3A = arith.constant 0 : i32
      %dma_start3A_51 = tpu.memref_slice %arg16[%mul3A_6, %dma_start3A] : memref<50048x16xf32, #tpu.memory_space<vmem_shared>> -> memref<3128x16xf32, #tpu.memory_space<vmem_shared>>
      %dma_start3A_52 = arith.constant 0 : i32
      %dma_start3A_53 = tpu.memref_slice %arg16[%mul3A_6, %dma_start3A_52] : memref<50048x16xf32, #tpu.memory_space<vmem_shared>> -> memref<3128x16xf32, #tpu.memory_space<vmem_shared>>
      tpu.enqueue_dma source(%arg15 : memref<3128x16xf32, #tpu.memory_space<vmem>>) target(%dma_start3A_53 : memref<3128x16xf32, #tpu.memory_space<vmem_shared>>) target_semaphore(%run_scoped3A : memref<!tpu.dma_semaphore, #tpu.memory_space<semaphore_mem>>)
      %dma_wait3A = arith.constant 0 : i32
      %dma_wait3A_54 = tpu.memref_slice %arg16[%mul3A_6, %dma_wait3A] : memref<50048x16xf32, #tpu.memory_space<vmem_shared>> -> memref<3128x16xf32, #tpu.memory_space<vmem_shared>>
      %dma_wait3A_55 = arith.constant 0 : i32
      %dma_wait3A_56 = tpu.memref_slice %arg16[%mul3A_6, %dma_wait3A_55] : memref<50048x16xf32, #tpu.memory_space<vmem_shared>> -> memref<3128x16xf32, #tpu.memory_space<vmem_shared>>
      tpu.wait_dma2 semaphore(%run_scoped3A : memref<!tpu.dma_semaphore, #tpu.memory_space<semaphore_mem>>) src(%arg15 : memref<3128x16xf32, #tpu.memory_space<vmem>>) dst(%dma_wait3A_56 : memref<3128x16xf32, #tpu.memory_space<vmem_shared>>)
      tpu.yield
    }) : () -> ()
    %barrier3A = arith.constant 0 : index
    tpu.barrier barrier_id(%barrier3A)
    %scan3A_7 = arith.constant 0 : i32
    %scan3A_8 = arith.constant 0 : i32
    %scan3A_9 = arith.constant 625 : i32
    %scan3A_10 = arith.addi %scan3A_8, %scan3A_9 : i32
    %scan3A_11 = arith.constant 1 : i32
    scf.for %scan3A_51 = %scan3A_8 to %scan3A_10 step %scan3A_11  : i32 {
      %mul3A_52 = arith.constant 50000 : i32
      %mul3A_53 = arith.muli %arg1, %mul3A_52 : i32
      %mul3A_54 = arith.constant 80 : i32
      %mul3A_55 = arith.muli %scan3A_51, %mul3A_54 : i32
      %add3A = arith.addi %mul3A_53, %mul3A_55 : i32
      "tpu.region"() ({
        %run_scoped3A = tpu.sem_alloc : memref<!tpu.dma_semaphore, #tpu.memory_space<semaphore_mem>>
        %dma_start3A = tpu.memref_slice %arg6[%add3A] : memref<800000xi32, #tpu.memory_space<hbm>> -> memref<80xi32, #tpu.memory_space<hbm>>
        %dma_start3A_66 = tpu.memref_slice %arg6[%add3A] : memref<800000xi32, #tpu.memory_space<hbm>> -> memref<80xi32, #tpu.memory_space<hbm>>
        tpu.enqueue_dma source(%dma_start3A_66 : memref<80xi32, #tpu.memory_space<hbm>>) target(%arg12 : memref<80xi32, #tpu.memory_space<vmem>>) target_semaphore(%run_scoped3A : memref<!tpu.dma_semaphore, #tpu.memory_space<semaphore_mem>>)
        %dma_wait3A = tpu.memref_slice %arg6[%add3A] : memref<800000xi32, #tpu.memory_space<hbm>> -> memref<80xi32, #tpu.memory_space<hbm>>
        %dma_wait3A_67 = tpu.memref_slice %arg6[%add3A] : memref<800000xi32, #tpu.memory_space<hbm>> -> memref<80xi32, #tpu.memory_space<hbm>>
        tpu.wait_dma2 semaphore(%run_scoped3A : memref<!tpu.dma_semaphore, #tpu.memory_space<semaphore_mem>>) src(%dma_wait3A_67 : memref<80xi32, #tpu.memory_space<hbm>>) dst(%arg12 : memref<80xi32, #tpu.memory_space<vmem>>)
        tpu.yield
      }) : () -> ()
      "tpu.region"() ({
        %run_scoped3A = tpu.sem_alloc : memref<!tpu.dma_semaphore, #tpu.memory_space<semaphore_mem>>
        %dma_start3A = tpu.memref_slice %arg7[%add3A] : memref<800000xi32, #tpu.memory_space<hbm>> -> memref<80xi32, #tpu.memory_space<hbm>>
        %dma_start3A_66 = tpu.memref_slice %arg7[%add3A] : memref<800000xi32, #tpu.memory_space<hbm>> -> memref<80xi32, #tpu.memory_space<hbm>>
        tpu.enqueue_dma source(%dma_start3A_66 : memref<80xi32, #tpu.memory_space<hbm>>) target(%arg13 : memref<80xi32, #tpu.memory_space<vmem>>) target_semaphore(%run_scoped3A : memref<!tpu.dma_semaphore, #tpu.memory_space<semaphore_mem>>)
        %dma_wait3A = tpu.memref_slice %arg7[%add3A] : memref<800000xi32, #tpu.memory_space<hbm>> -> memref<80xi32, #tpu.memory_space<hbm>>
        %dma_wait3A_67 = tpu.memref_slice %arg7[%add3A] : memref<800000xi32, #tpu.memory_space<hbm>> -> memref<80xi32, #tpu.memory_space<hbm>>
        tpu.wait_dma2 semaphore(%run_scoped3A : memref<!tpu.dma_semaphore, #tpu.memory_space<semaphore_mem>>) src(%dma_wait3A_67 : memref<80xi32, #tpu.memory_space<hbm>>) dst(%arg13 : memref<80xi32, #tpu.memory_space<vmem>>)
        tpu.yield
      }) : () -> ()
      %eq3A_56 = arith.constant 0 : i32
      %eq3A_57 = arith.cmpi eq, %arg0, %eq3A_56 : i32
      %convert_element_type3A_58 = arith.extui %eq3A_57 : i1 to i32
      %cond3A_59 = arith.constant 0 : i32
      %cond3A_60 = arith.cmpi ne, %convert_element_type3A_58, %cond3A_59 : i32
      scf.if %cond3A_60 {
        %dma_start3A = arith.constant 0 : i32
        %dma_start3A_66 = arith.constant 0 : i32
        %dma_start3A_67 = tpu.memref_slice %arg2[%dma_start3A, %dma_start3A_66] : memref<50000x16xf32, #tpu.memory_space<hbm>> -> memref<50000x16xf32, #tpu.memory_space<hbm>>
        tpu.enqueue_indirect_dma source(%dma_start3A_67 : memref<50000x16xf32, #tpu.memory_space<hbm>>) target(%arg14 : memref<80x16xf32, #tpu.memory_space<vmem>>) offsets(%arg12 : memref<80xi32, #tpu.memory_space<vmem>>) semaphore(%arg17 : memref<!tpu.dma_semaphore, #tpu.memory_space<semaphore_mem>>)
        %dma_wait3A = arith.constant 0 : i32
        %dma_wait3A_68 = arith.constant 0 : i32
        %dma_wait3A_69 = tpu.memref_slice %arg2[%dma_wait3A, %dma_wait3A_68] : memref<50000x16xf32, #tpu.memory_space<hbm>> -> memref<50000x16xf32, #tpu.memory_space<hbm>>
        tpu.wait_indirect_dma semaphore(%arg17 : memref<!tpu.dma_semaphore, #tpu.memory_space<semaphore_mem>>) src(%dma_wait3A_69 : memref<50000x16xf32, #tpu.memory_space<hbm>>) dst(%arg14 : memref<80x16xf32, #tpu.memory_space<vmem>>)
      } else {
      }
      %eq3A_61 = arith.constant 1 : i32
      %eq3A_62 = arith.cmpi eq, %arg0, %eq3A_61 : i32
      %convert_element_type3A_63 = arith.extui %eq3A_62 : i1 to i32
      %cond3A_64 = arith.constant 0 : i32
      %cond3A_65 = arith.cmpi ne, %convert_element_type3A_63, %cond3A_64 : i32
      scf.if %cond3A_65 {
        %dma_start3A = arith.constant 0 : i32
        %dma_start3A_66 = arith.constant 0 : i32
        %dma_start3A_67 = tpu.memref_slice %arg4[%dma_start3A, %dma_start3A_66] : memref<50000x16xf32, #tpu.memory_space<hbm>> -> memref<50000x16xf32, #tpu.memory_space<hbm>>
        tpu.enqueue_indirect_dma source(%dma_start3A_67 : memref<50000x16xf32, #tpu.memory_space<hbm>>) target(%arg14 : memref<80x16xf32, #tpu.memory_space<vmem>>) offsets(%arg12 : memref<80xi32, #tpu.memory_space<vmem>>) semaphore(%arg17 : memref<!tpu.dma_semaphore, #tpu.memory_space<semaphore_mem>>)
        %dma_wait3A = arith.constant 0 : i32
        %dma_wait3A_68 = arith.constant 0 : i32
        %dma_wait3A_69 = tpu.memref_slice %arg4[%dma_wait3A, %dma_wait3A_68] : memref<50000x16xf32, #tpu.memory_space<hbm>> -> memref<50000x16xf32, #tpu.memory_space<hbm>>
        tpu.wait_indirect_dma semaphore(%arg17 : memref<!tpu.dma_semaphore, #tpu.memory_space<semaphore_mem>>) src(%dma_wait3A_69 : memref<50000x16xf32, #tpu.memory_space<hbm>>) dst(%arg14 : memref<80x16xf32, #tpu.memory_space<vmem>>)
      } else {
      }
      "tpu.region"() ({
        %run_scoped3A = tpu.sem_alloc : memref<!tpu.dma_semaphore, #tpu.memory_space<semaphore_mem>>
        %dma_start3A = arith.constant 0 : i32
        %dma_start3A_66 = arith.constant 0 : i32
        %dma_start3A_67 = tpu.memref_slice %arg16[%dma_start3A, %dma_start3A_66] : memref<50048x16xf32, #tpu.memory_space<vmem_shared>> -> memref<50048x16xf32, #tpu.memory_space<vmem_shared>>
        tpu.enqueue_indirect_dma source(%arg14 : memref<80x16xf32, #tpu.memory_space<vmem>>) target(%dma_start3A_67 : memref<50048x16xf32, #tpu.memory_space<vmem_shared>>) offsets(%arg13 : memref<80xi32, #tpu.memory_space<vmem>>) semaphore(%run_scoped3A : memref<!tpu.dma_semaphore, #tpu.memory_space<semaphore_mem>>) {add = true}
        %dma_wait3A = arith.constant 0 : i32
        %dma_wait3A_68 = arith.constant 0 : i32
        %dma_wait3A_69 = tpu.memref_slice %arg16[%dma_wait3A, %dma_wait3A_68] : memref<50048x16xf32, #tpu.memory_space<vmem_shared>> -> memref<50048x16xf32, #tpu.memory_space<vmem_shared>>
        tpu.wait_indirect_dma semaphore(%run_scoped3A : memref<!tpu.dma_semaphore, #tpu.memory_space<semaphore_mem>>) src(%arg14 : memref<80x16xf32, #tpu.memory_space<vmem>>) dst(%dma_wait3A_69 : memref<50048x16xf32, #tpu.memory_space<vmem_shared>>)
        tpu.yield
      }) : () -> ()
    }
    %scan3A_12 = arith.constant 625 : i32
    %barrier3A_13 = arith.constant 0 : index
    tpu.barrier barrier_id(%barrier3A_13)
    %mul3A_14 = arith.constant 3128 : i32
    %mul3A_15 = arith.muli %arg1, %mul3A_14 : i32
    "tpu.region"() ({
      %run_scoped3A = tpu.sem_alloc : memref<!tpu.dma_semaphore, #tpu.memory_space<semaphore_mem>>
      %dma_start3A = arith.constant 0 : i32
      %dma_start3A_51 = tpu.memref_slice %arg16[%mul3A_15, %dma_start3A] : memref<50048x16xf32, #tpu.memory_space<vmem_shared>> -> memref<3128x16xf32, #tpu.memory_space<vmem_shared>>
      %dma_start3A_52 = arith.constant 0 : i32
      %dma_start3A_53 = tpu.memref_slice %arg16[%mul3A_15, %dma_start3A_52] : memref<50048x16xf32, #tpu.memory_space<vmem_shared>> -> memref<3128x16xf32, #tpu.memory_space<vmem_shared>>
      tpu.enqueue_dma source(%dma_start3A_53 : memref<3128x16xf32, #tpu.memory_space<vmem_shared>>) target(%arg15 : memref<3128x16xf32, #tpu.memory_space<vmem>>) target_semaphore(%run_scoped3A : memref<!tpu.dma_semaphore, #tpu.memory_space<semaphore_mem>>)
      %dma_wait3A = arith.constant 0 : i32
      %dma_wait3A_54 = tpu.memref_slice %arg16[%mul3A_15, %dma_wait3A] : memref<50048x16xf32, #tpu.memory_space<vmem_shared>> -> memref<3128x16xf32, #tpu.memory_space<vmem_shared>>
      %dma_wait3A_55 = arith.constant 0 : i32
      %dma_wait3A_56 = tpu.memref_slice %arg16[%mul3A_15, %dma_wait3A_55] : memref<50048x16xf32, #tpu.memory_space<vmem_shared>> -> memref<3128x16xf32, #tpu.memory_space<vmem_shared>>
      tpu.wait_dma2 semaphore(%run_scoped3A : memref<!tpu.dma_semaphore, #tpu.memory_space<semaphore_mem>>) src(%dma_wait3A_56 : memref<3128x16xf32, #tpu.memory_space<vmem_shared>>) dst(%arg15 : memref<3128x16xf32, #tpu.memory_space<vmem>>)
      tpu.yield
    }) : () -> ()
    %eq3A = arith.constant 0 : i32
    %eq3A_16 = arith.cmpi eq, %arg0, %eq3A : i32
    %convert_element_type3A = arith.extui %eq3A_16 : i1 to i32
    %cond3A = arith.constant 0 : i32
    %cond3A_17 = arith.cmpi ne, %convert_element_type3A, %cond3A : i32
    scf.if %cond3A_17 {
      %mul3A_51 = arith.constant 3128 : i32
      %mul3A_52 = arith.muli %arg1, %mul3A_51 : i32
      "tpu.region"() ({
        %run_scoped3A = tpu.sem_alloc : memref<!tpu.dma_semaphore, #tpu.memory_space<semaphore_mem>>
        %dma_start3A = arith.constant 0 : i32
        %dma_start3A_53 = tpu.memref_slice %arg8[%mul3A_52, %dma_start3A] : memref<50048x16xf32, #tpu.memory_space<hbm>> -> memref<3128x16xf32, #tpu.memory_space<hbm>>
        %dma_start3A_54 = arith.constant 0 : i32
        %dma_start3A_55 = tpu.memref_slice %arg8[%mul3A_52, %dma_start3A_54] : memref<50048x16xf32, #tpu.memory_space<hbm>> -> memref<3128x16xf32, #tpu.memory_space<hbm>>
        tpu.enqueue_dma source(%arg15 : memref<3128x16xf32, #tpu.memory_space<vmem>>) target(%dma_start3A_55 : memref<3128x16xf32, #tpu.memory_space<hbm>>) target_semaphore(%run_scoped3A : memref<!tpu.dma_semaphore, #tpu.memory_space<semaphore_mem>>)
        %dma_wait3A = arith.constant 0 : i32
        %dma_wait3A_56 = tpu.memref_slice %arg8[%mul3A_52, %dma_wait3A] : memref<50048x16xf32, #tpu.memory_space<hbm>> -> memref<3128x16xf32, #tpu.memory_space<hbm>>
        %dma_wait3A_57 = arith.constant 0 : i32
        %dma_wait3A_58 = tpu.memref_slice %arg8[%mul3A_52, %dma_wait3A_57] : memref<50048x16xf32, #tpu.memory_space<hbm>> -> memref<3128x16xf32, #tpu.memory_space<hbm>>
        tpu.wait_dma2 semaphore(%run_scoped3A : memref<!tpu.dma_semaphore, #tpu.memory_space<semaphore_mem>>) src(%arg15 : memref<3128x16xf32, #tpu.memory_space<vmem>>) dst(%dma_wait3A_58 : memref<3128x16xf32, #tpu.memory_space<hbm>>)
        tpu.yield
      }) : () -> ()
    } else {
    }
    %eq3A_18 = arith.constant 1 : i32
    %eq3A_19 = arith.cmpi eq, %arg0, %eq3A_18 : i32
    %convert_element_type3A_20 = arith.extui %eq3A_19 : i1 to i32
    %cond3A_21 = arith.constant 0 : i32
    %cond3A_22 = arith.cmpi ne, %convert_element_type3A_20, %cond3A_21 : i32
    scf.if %cond3A_22 {
      %mul3A_51 = arith.constant 3128 : i32
      %mul3A_52 = arith.muli %arg1, %mul3A_51 : i32
      "tpu.region"() ({
        %run_scoped3A = tpu.sem_alloc : memref<!tpu.dma_semaphore, #tpu.memory_space<semaphore_mem>>
        %dma_start3A = arith.constant 0 : i32
        %dma_start3A_53 = tpu.memref_slice %arg10[%mul3A_52, %dma_start3A] : memref<50048x16xf32, #tpu.memory_space<hbm>> -> memref<3128x16xf32, #tpu.memory_space<hbm>>
        %dma_start3A_54 = arith.constant 0 : i32
        %dma_start3A_55 = tpu.memref_slice %arg10[%mul3A_52, %dma_start3A_54] : memref<50048x16xf32, #tpu.memory_space<hbm>> -> memref<3128x16xf32, #tpu.memory_space<hbm>>
        tpu.enqueue_dma source(%arg15 : memref<3128x16xf32, #tpu.memory_space<vmem>>) target(%dma_start3A_55 : memref<3128x16xf32, #tpu.memory_space<hbm>>) target_semaphore(%run_scoped3A : memref<!tpu.dma_semaphore, #tpu.memory_space<semaphore_mem>>)
        %dma_wait3A = arith.constant 0 : i32
        %dma_wait3A_56 = tpu.memref_slice %arg10[%mul3A_52, %dma_wait3A] : memref<50048x16xf32, #tpu.memory_space<hbm>> -> memref<3128x16xf32, #tpu.memory_space<hbm>>
        %dma_wait3A_57 = arith.constant 0 : i32
        %dma_wait3A_58 = tpu.memref_slice %arg10[%mul3A_52, %dma_wait3A_57] : memref<50048x16xf32, #tpu.memory_space<hbm>> -> memref<3128x16xf32, #tpu.memory_space<hbm>>
        tpu.wait_dma2 semaphore(%run_scoped3A : memref<!tpu.dma_semaphore, #tpu.memory_space<semaphore_mem>>) src(%arg15 : memref<3128x16xf32, #tpu.memory_space<vmem>>) dst(%dma_wait3A_58 : memref<3128x16xf32, #tpu.memory_space<hbm>>)
        tpu.yield
      }) : () -> ()
    } else {
    }
    %scan3A_23 = arith.constant 0 : i32
    %scan3A_24 = arith.constant 0 : i32
    %scan3A_25 = arith.constant 3128 : i32
    %scan3A_26 = arith.addi %scan3A_24, %scan3A_25 : i32
    %scan3A_27 = arith.constant 1 : i32
    scf.for %scan3A_51 = %scan3A_24 to %scan3A_26 step %scan3A_27  : i32 {
      %swap3A = arith.index_cast %scan3A_51 : i32 to index
      %swap3A_52 = arith.constant 0 : index
      %swap3A_53 = tpu.vector_load %arg15[%swap3A, %swap3A_52] {strides = array<i32>} : memref<3128x16xf32, #tpu.memory_space<vmem>>, vector<1x16xf32>,
      %swap3A_54 = vector.shape_cast %swap3A_53 : vector<1x16xf32> to vector<16xf32>
      %swap3A_55 = vector.shape_cast %broadcast_in_dim3A_0 : vector<16xf32> to vector<1x16xf32>
      tpu.vector_store %arg15[%swap3A, %swap3A_52], %swap3A_55 {strides = array<i32>} : memref<3128x16xf32, #tpu.memory_space<vmem>>, vector<1x16xf32>,
    }
    %scan3A_28 = arith.constant 3128 : i32
    %mul3A_29 = arith.constant 3128 : i32
    %mul3A_30 = arith.muli %arg1, %mul3A_29 : i32
    "tpu.region"() ({
      %run_scoped3A = tpu.sem_alloc : memref<!tpu.dma_semaphore, #tpu.memory_space<semaphore_mem>>
      %dma_start3A = arith.constant 0 : i32
      %dma_start3A_51 = tpu.memref_slice %arg16[%mul3A_30, %dma_start3A] : memref<50048x16xf32, #tpu.memory_space<vmem_shared>> -> memref<3128x16xf32, #tpu.memory_space<vmem_shared>>
      %dma_start3A_52 = arith.constant 0 : i32
      %dma_start3A_53 = tpu.memref_slice %arg16[%mul3A_30, %dma_start3A_52] : memref<50048x16xf32, #tpu.memory_space<vmem_shared>> -> memref<3128x16xf32, #tpu.memory_space<vmem_shared>>
      tpu.enqueue_dma source(%arg15 : memref<3128x16xf32, #tpu.memory_space<vmem>>) target(%dma_start3A_53 : memref<3128x16xf32, #tpu.memory_space<vmem_shared>>) target_semaphore(%run_scoped3A : memref<!tpu.dma_semaphore, #tpu.memory_space<semaphore_mem>>)
      %dma_wait3A = arith.constant 0 : i32
      %dma_wait3A_54 = tpu.memref_slice %arg16[%mul3A_30, %dma_wait3A] : memref<50048x16xf32, #tpu.memory_space<vmem_shared>> -> memref<3128x16xf32, #tpu.memory_space<vmem_shared>>
      %dma_wait3A_55 = arith.constant 0 : i32
      %dma_wait3A_56 = tpu.memref_slice %arg16[%mul3A_30, %dma_wait3A_55] : memref<50048x16xf32, #tpu.memory_space<vmem_shared>> -> memref<3128x16xf32, #tpu.memory_space<vmem_shared>>
      tpu.wait_dma2 semaphore(%run_scoped3A : memref<!tpu.dma_semaphore, #tpu.memory_space<semaphore_mem>>) src(%arg15 : memref<3128x16xf32, #tpu.memory_space<vmem>>) dst(%dma_wait3A_56 : memref<3128x16xf32, #tpu.memory_space<vmem_shared>>)
      tpu.yield
    }) : () -> ()
    %barrier3A_31 = arith.constant 0 : index
    tpu.barrier barrier_id(%barrier3A_31)
    %scan3A_32 = arith.constant 0 : i32
    %scan3A_33 = arith.constant 0 : i32
    %scan3A_34 = arith.constant 625 : i32
    %scan3A_35 = arith.addi %scan3A_33, %scan3A_34 : i32
    %scan3A_36 = arith.constant 1 : i32
    scf.for %scan3A_51 = %scan3A_33 to %scan3A_35 step %scan3A_36  : i32 {
      %mul3A_52 = arith.constant 50000 : i32
      %mul3A_53 = arith.muli %arg1, %mul3A_52 : i32
      %mul3A_54 = arith.constant 80 : i32
      %mul3A_55 = arith.muli %scan3A_51, %mul3A_54 : i32
      %add3A = arith.addi %mul3A_53, %mul3A_55 : i32
      "tpu.region"() ({
        %run_scoped3A = tpu.sem_alloc : memref<!tpu.dma_semaphore, #tpu.memory_space<semaphore_mem>>
        %dma_start3A = tpu.memref_slice %arg6[%add3A] : memref<800000xi32, #tpu.memory_space<hbm>> -> memref<80xi32, #tpu.memory_space<hbm>>
        %dma_start3A_66 = tpu.memref_slice %arg6[%add3A] : memref<800000xi32, #tpu.memory_space<hbm>> -> memref<80xi32, #tpu.memory_space<hbm>>
        tpu.enqueue_dma source(%dma_start3A_66 : memref<80xi32, #tpu.memory_space<hbm>>) target(%arg12 : memref<80xi32, #tpu.memory_space<vmem>>) target_semaphore(%run_scoped3A : memref<!tpu.dma_semaphore, #tpu.memory_space<semaphore_mem>>)
        %dma_wait3A = tpu.memref_slice %arg6[%add3A] : memref<800000xi32, #tpu.memory_space<hbm>> -> memref<80xi32, #tpu.memory_space<hbm>>
        %dma_wait3A_67 = tpu.memref_slice %arg6[%add3A] : memref<800000xi32, #tpu.memory_space<hbm>> -> memref<80xi32, #tpu.memory_space<hbm>>
        tpu.wait_dma2 semaphore(%run_scoped3A : memref<!tpu.dma_semaphore, #tpu.memory_space<semaphore_mem>>) src(%dma_wait3A_67 : memref<80xi32, #tpu.memory_space<hbm>>) dst(%arg12 : memref<80xi32, #tpu.memory_space<vmem>>)
        tpu.yield
      }) : () -> ()
      "tpu.region"() ({
        %run_scoped3A = tpu.sem_alloc : memref<!tpu.dma_semaphore, #tpu.memory_space<semaphore_mem>>
        %dma_start3A = tpu.memref_slice %arg7[%add3A] : memref<800000xi32, #tpu.memory_space<hbm>> -> memref<80xi32, #tpu.memory_space<hbm>>
        %dma_start3A_66 = tpu.memref_slice %arg7[%add3A] : memref<800000xi32, #tpu.memory_space<hbm>> -> memref<80xi32, #tpu.memory_space<hbm>>
        tpu.enqueue_dma source(%dma_start3A_66 : memref<80xi32, #tpu.memory_space<hbm>>) target(%arg13 : memref<80xi32, #tpu.memory_space<vmem>>) target_semaphore(%run_scoped3A : memref<!tpu.dma_semaphore, #tpu.memory_space<semaphore_mem>>)
        %dma_wait3A = tpu.memref_slice %arg7[%add3A] : memref<800000xi32, #tpu.memory_space<hbm>> -> memref<80xi32, #tpu.memory_space<hbm>>
        %dma_wait3A_67 = tpu.memref_slice %arg7[%add3A] : memref<800000xi32, #tpu.memory_space<hbm>> -> memref<80xi32, #tpu.memory_space<hbm>>
        tpu.wait_dma2 semaphore(%run_scoped3A : memref<!tpu.dma_semaphore, #tpu.memory_space<semaphore_mem>>) src(%dma_wait3A_67 : memref<80xi32, #tpu.memory_space<hbm>>) dst(%arg13 : memref<80xi32, #tpu.memory_space<vmem>>)
        tpu.yield
      }) : () -> ()
      %eq3A_56 = arith.constant 0 : i32
      %eq3A_57 = arith.cmpi eq, %arg0, %eq3A_56 : i32
      %convert_element_type3A_58 = arith.extui %eq3A_57 : i1 to i32
      %cond3A_59 = arith.constant 0 : i32
      %cond3A_60 = arith.cmpi ne, %convert_element_type3A_58, %cond3A_59 : i32
      scf.if %cond3A_60 {
        %dma_start3A = arith.constant 0 : i32
        %dma_start3A_66 = arith.constant 0 : i32
        %dma_start3A_67 = tpu.memref_slice %arg3[%dma_start3A, %dma_start3A_66] : memref<50000x16xf32, #tpu.memory_space<hbm>> -> memref<50000x16xf32, #tpu.memory_space<hbm>>
        tpu.enqueue_indirect_dma source(%dma_start3A_67 : memref<50000x16xf32, #tpu.memory_space<hbm>>) target(%arg14 : memref<80x16xf32, #tpu.memory_space<vmem>>) offsets(%arg12 : memref<80xi32, #tpu.memory_space<vmem>>) semaphore(%arg17 : memref<!tpu.dma_semaphore, #tpu.memory_space<semaphore_mem>>)
        %dma_wait3A = arith.constant 0 : i32
        %dma_wait3A_68 = arith.constant 0 : i32
        %dma_wait3A_69 = tpu.memref_slice %arg3[%dma_wait3A, %dma_wait3A_68] : memref<50000x16xf32, #tpu.memory_space<hbm>> -> memref<50000x16xf32, #tpu.memory_space<hbm>>
        tpu.wait_indirect_dma semaphore(%arg17 : memref<!tpu.dma_semaphore, #tpu.memory_space<semaphore_mem>>) src(%dma_wait3A_69 : memref<50000x16xf32, #tpu.memory_space<hbm>>) dst(%arg14 : memref<80x16xf32, #tpu.memory_space<vmem>>)
      } else {
      }
      %eq3A_61 = arith.constant 1 : i32
      %eq3A_62 = arith.cmpi eq, %arg0, %eq3A_61 : i32
      %convert_element_type3A_63 = arith.extui %eq3A_62 : i1 to i32
      %cond3A_64 = arith.constant 0 : i32
      %cond3A_65 = arith.cmpi ne, %convert_element_type3A_63, %cond3A_64 : i32
      scf.if %cond3A_65 {
        %dma_start3A = arith.constant 0 : i32
        %dma_start3A_66 = arith.constant 0 : i32
        %dma_start3A_67 = tpu.memref_slice %arg5[%dma_start3A, %dma_start3A_66] : memref<50000x16xf32, #tpu.memory_space<hbm>> -> memref<50000x16xf32, #tpu.memory_space<hbm>>
        tpu.enqueue_indirect_dma source(%dma_start3A_67 : memref<50000x16xf32, #tpu.memory_space<hbm>>) target(%arg14 : memref<80x16xf32, #tpu.memory_space<vmem>>) offsets(%arg12 : memref<80xi32, #tpu.memory_space<vmem>>) semaphore(%arg17 : memref<!tpu.dma_semaphore, #tpu.memory_space<semaphore_mem>>)
        %dma_wait3A = arith.constant 0 : i32
        %dma_wait3A_68 = arith.constant 0 : i32
        %dma_wait3A_69 = tpu.memref_slice %arg5[%dma_wait3A, %dma_wait3A_68] : memref<50000x16xf32, #tpu.memory_space<hbm>> -> memref<50000x16xf32, #tpu.memory_space<hbm>>
        tpu.wait_indirect_dma semaphore(%arg17 : memref<!tpu.dma_semaphore, #tpu.memory_space<semaphore_mem>>) src(%dma_wait3A_69 : memref<50000x16xf32, #tpu.memory_space<hbm>>) dst(%arg14 : memref<80x16xf32, #tpu.memory_space<vmem>>)
      } else {
      }
      "tpu.region"() ({
        %run_scoped3A = tpu.sem_alloc : memref<!tpu.dma_semaphore, #tpu.memory_space<semaphore_mem>>
        %dma_start3A = arith.constant 0 : i32
        %dma_start3A_66 = arith.constant 0 : i32
        %dma_start3A_67 = tpu.memref_slice %arg16[%dma_start3A, %dma_start3A_66] : memref<50048x16xf32, #tpu.memory_space<vmem_shared>> -> memref<50048x16xf32, #tpu.memory_space<vmem_shared>>
        tpu.enqueue_indirect_dma source(%arg14 : memref<80x16xf32, #tpu.memory_space<vmem>>) target(%dma_start3A_67 : memref<50048x16xf32, #tpu.memory_space<vmem_shared>>) offsets(%arg13 : memref<80xi32, #tpu.memory_space<vmem>>) semaphore(%run_scoped3A : memref<!tpu.dma_semaphore, #tpu.memory_space<semaphore_mem>>) {add = true}
        %dma_wait3A = arith.constant 0 : i32
        %dma_wait3A_68 = arith.constant 0 : i32
        %dma_wait3A_69 = tpu.memref_slice %arg16[%dma_wait3A, %dma_wait3A_68] : memref<50048x16xf32, #tpu.memory_space<vmem_shared>> -> memref<50048x16xf32, #tpu.memory_space<vmem_shared>>
        tpu.wait_indirect_dma semaphore(%run_scoped3A : memref<!tpu.dma_semaphore, #tpu.memory_space<semaphore_mem>>) src(%arg14 : memref<80x16xf32, #tpu.memory_space<vmem>>) dst(%dma_wait3A_69 : memref<50048x16xf32, #tpu.memory_space<vmem_shared>>)
        tpu.yield
      }) : () -> ()
    }
    %scan3A_37 = arith.constant 625 : i32
    %barrier3A_38 = arith.constant 0 : index
    tpu.barrier barrier_id(%barrier3A_38)
    %mul3A_39 = arith.constant 3128 : i32
    %mul3A_40 = arith.muli %arg1, %mul3A_39 : i32
    "tpu.region"() ({
      %run_scoped3A = tpu.sem_alloc : memref<!tpu.dma_semaphore, #tpu.memory_space<semaphore_mem>>
      %dma_start3A = arith.constant 0 : i32
      %dma_start3A_51 = tpu.memref_slice %arg16[%mul3A_40, %dma_start3A] : memref<50048x16xf32, #tpu.memory_space<vmem_shared>> -> memref<3128x16xf32, #tpu.memory_space<vmem_shared>>
      %dma_start3A_52 = arith.constant 0 : i32
      %dma_start3A_53 = tpu.memref_slice %arg16[%mul3A_40, %dma_start3A_52] : memref<50048x16xf32, #tpu.memory_space<vmem_shared>> -> memref<3128x16xf32, #tpu.memory_space<vmem_shared>>
      tpu.enqueue_dma source(%dma_start3A_53 : memref<3128x16xf32, #tpu.memory_space<vmem_shared>>) target(%arg15 : memref<3128x16xf32, #tpu.memory_space<vmem>>) target_semaphore(%run_scoped3A : memref<!tpu.dma_semaphore, #tpu.memory_space<semaphore_mem>>)
      %dma_wait3A = arith.constant 0 : i32
      %dma_wait3A_54 = tpu.memref_slice %arg16[%mul3A_40, %dma_wait3A] : memref<50048x16xf32, #tpu.memory_space<vmem_shared>> -> memref<3128x16xf32, #tpu.memory_space<vmem_shared>>
      %dma_wait3A_55 = arith.constant 0 : i32
      %dma_wait3A_56 = tpu.memref_slice %arg16[%mul3A_40, %dma_wait3A_55] : memref<50048x16xf32, #tpu.memory_space<vmem_shared>> -> memref<3128x16xf32, #tpu.memory_space<vmem_shared>>
      tpu.wait_dma2 semaphore(%run_scoped3A : memref<!tpu.dma_semaphore, #tpu.memory_space<semaphore_mem>>) src(%dma_wait3A_56 : memref<3128x16xf32, #tpu.memory_space<vmem_shared>>) dst(%arg15 : memref<3128x16xf32, #tpu.memory_space<vmem>>)
      tpu.yield
    }) : () -> ()
    %eq3A_41 = arith.constant 0 : i32
    %eq3A_42 = arith.cmpi eq, %arg0, %eq3A_41 : i32
    %convert_element_type3A_43 = arith.extui %eq3A_42 : i1 to i32
    %cond3A_44 = arith.constant 0 : i32
    %cond3A_45 = arith.cmpi ne, %convert_element_type3A_43, %cond3A_44 : i32
    scf.if %cond3A_45 {
      %mul3A_51 = arith.constant 3128 : i32
      %mul3A_52 = arith.muli %arg1, %mul3A_51 : i32
      "tpu.region"() ({
        %run_scoped3A = tpu.sem_alloc : memref<!tpu.dma_semaphore, #tpu.memory_space<semaphore_mem>>
        %dma_start3A = arith.constant 0 : i32
        %dma_start3A_53 = tpu.memref_slice %arg9[%mul3A_52, %dma_start3A] : memref<50048x16xf32, #tpu.memory_space<hbm>> -> memref<3128x16xf32, #tpu.memory_space<hbm>>
        %dma_start3A_54 = arith.constant 0 : i32
        %dma_start3A_55 = tpu.memref_slice %arg9[%mul3A_52, %dma_start3A_54] : memref<50048x16xf32, #tpu.memory_space<hbm>> -> memref<3128x16xf32, #tpu.memory_space<hbm>>
        tpu.enqueue_dma source(%arg15 : memref<3128x16xf32, #tpu.memory_space<vmem>>) target(%dma_start3A_55 : memref<3128x16xf32, #tpu.memory_space<hbm>>) target_semaphore(%run_scoped3A : memref<!tpu.dma_semaphore, #tpu.memory_space<semaphore_mem>>)
        %dma_wait3A = arith.constant 0 : i32
        %dma_wait3A_56 = tpu.memref_slice %arg9[%mul3A_52, %dma_wait3A] : memref<50048x16xf32, #tpu.memory_space<hbm>> -> memref<3128x16xf32, #tpu.memory_space<hbm>>
        %dma_wait3A_57 = arith.constant 0 : i32
        %dma_wait3A_58 = tpu.memref_slice %arg9[%mul3A_52, %dma_wait3A_57] : memref<50048x16xf32, #tpu.memory_space<hbm>> -> memref<3128x16xf32, #tpu.memory_space<hbm>>
        tpu.wait_dma2 semaphore(%run_scoped3A : memref<!tpu.dma_semaphore, #tpu.memory_space<semaphore_mem>>) src(%arg15 : memref<3128x16xf32, #tpu.memory_space<vmem>>) dst(%dma_wait3A_58 : memref<3128x16xf32, #tpu.memory_space<hbm>>)
        tpu.yield
      }) : () -> ()
    } else {
    }
    %eq3A_46 = arith.constant 1 : i32
    %eq3A_47 = arith.cmpi eq, %arg0, %eq3A_46 : i32
    %convert_element_type3A_48 = arith.extui %eq3A_47 : i1 to i32
    %cond3A_49 = arith.constant 0 : i32
    %cond3A_50 = arith.cmpi ne, %convert_element_type3A_48, %cond3A_49 : i32
    scf.if %cond3A_50 {
      %mul3A_51 = arith.constant 3128 : i32
      %mul3A_52 = arith.muli %arg1, %mul3A_51 : i32
      "tpu.region"() ({
        %run_scoped3A = tpu.sem_alloc : memref<!tpu.dma_semaphore, #tpu.memory_space<semaphore_mem>>
        %dma_start3A = arith.constant 0 : i32
        %dma_start3A_53 = tpu.memref_slice %arg11[%mul3A_52, %dma_start3A] : memref<50048x16xf32, #tpu.memory_space<hbm>> -> memref<3128x16xf32, #tpu.memory_space<hbm>>
        %dma_start3A_54 = arith.constant 0 : i32
        %dma_start3A_55 = tpu.memref_slice %arg11[%mul3A_52, %dma_start3A_54] : memref<50048x16xf32, #tpu.memory_space<hbm>> -> memref<3128x16xf32, #tpu.memory_space<hbm>>
        tpu.enqueue_dma source(%arg15 : memref<3128x16xf32, #tpu.memory_space<vmem>>) target(%dma_start3A_55 : memref<3128x16xf32, #tpu.memory_space<hbm>>) target_semaphore(%run_scoped3A : memref<!tpu.dma_semaphore, #tpu.memory_space<semaphore_mem>>)
        %dma_wait3A = arith.constant 0 : i32
        %dma_wait3A_56 = tpu.memref_slice %arg11[%mul3A_52, %dma_wait3A] : memref<50048x16xf32, #tpu.memory_space<hbm>> -> memref<3128x16xf32, #tpu.memory_space<hbm>>
        %dma_wait3A_57 = arith.constant 0 : i32
        %dma_wait3A_58 = tpu.memref_slice %arg11[%mul3A_52, %dma_wait3A_57] : memref<50048x16xf32, #tpu.memory_space<hbm>> -> memref<3128x16xf32, #tpu.memory_space<hbm>>
        tpu.wait_dma2 semaphore(%run_scoped3A : memref<!tpu.dma_semaphore, #tpu.memory_space<semaphore_mem>>) src(%arg15 : memref<3128x16xf32, #tpu.memory_space<vmem>>) dst(%dma_wait3A_58 : memref<3128x16xf32, #tpu.memory_space<hbm>>)
        tpu.yield
      }) : () -> ()
    } else {
    }
    return
  }
}

#map = affine_map<(d0, d1) -> (0, 0)>
#map1 = affine_map<(d0, d1) -> (0)>
module attributes {stable_mosaic.version = 14 : i64} {
  func.func @_agg_kernel(%arg0: i32, %arg1: i32, %arg2: memref<50000x16xf32, #tpu.memory_space<hbm>>, %arg3: memref<50000x16xf32, #tpu.memory_space<hbm>>, %arg4: memref<50000x16xf32, #tpu.memory_space<hbm>>, %arg5: memref<50000x16xf32, #tpu.memory_space<hbm>>, %arg6: memref<800000xi32, #tpu.memory_space<hbm>>, %arg7: memref<800000xi32, #tpu.memory_space<hbm>>, %arg8: memref<50048x16xf32, #tpu.memory_space<hbm>>, %arg9: memref<50048x16xf32, #tpu.memory_space<hbm>>, %arg10: memref<50048x16xf32, #tpu.memory_space<hbm>>, %arg11: memref<50048x16xf32, #tpu.memory_space<hbm>>, %arg12: memref<80xi32, #tpu.memory_space<vmem>>, %arg13: memref<80xi32, #tpu.memory_space<vmem>>, %arg14: memref<80x16xf32, #tpu.memory_space<vmem>>, %arg15: memref<3128x16xf32, #tpu.memory_space<vmem>>, %arg16: memref<50048x16xf32, #tpu.memory_space<vmem_shared>>, %arg17: memref<!tpu.dma_semaphore, #tpu.memory_space<semaphore_mem>>) attributes {dimension_semantics = [#tpu.dimension_semantics<core_parallel>, #tpu.dimension_semantics<subcore_parallel>], iteration_bounds = array<i64: 2, 16>, scalar_prefetch = 0 : i64, scratch_operands = 6 : i64, tpu.core_type = #tpu.core_type<sc_vector_subcore>, window_params = [{transform_indices = #map}, {transform_indices = #map}, {transform_indices = #map}, {transform_indices = #map}, {transform_indices = #map1}, {transform_indices = #map1}, {transform_indices = #map}, {transform_indices = #map}, {transform_indices = #map}, {transform_indices = #map}]} {
    %broadcast_in_dim3A = arith.constant 0.000000e+00 : f32
    %broadcast_in_dim3A_0 = vector.broadcast %broadcast_in_dim3A : f32 to vector<16xf32>
    %scan3A = arith.constant 0 : i32
    %scan3A_1 = arith.constant 0 : i32
    %scan3A_2 = arith.constant 3128 : i32
    %scan3A_3 = arith.addi %scan3A_1, %scan3A_2 : i32
    %scan3A_4 = arith.constant 1 : i32
    scf.for %scan3A_51 = %scan3A_1 to %scan3A_3 step %scan3A_4  : i32 {
      %swap3A = arith.index_cast %scan3A_51 : i32 to index
      %swap3A_52 = arith.constant 0 : index
      %swap3A_53 = tpu.vector_load %arg15[%swap3A, %swap3A_52] {strides = array<i32>} : memref<3128x16xf32, #tpu.memory_space<vmem>>, vector<1x16xf32>,
      %swap3A_54 = vector.shape_cast %swap3A_53 : vector<1x16xf32> to vector<16xf32>
      %swap3A_55 = vector.shape_cast %broadcast_in_dim3A_0 : vector<16xf32> to vector<1x16xf32>
      tpu.vector_store %arg15[%swap3A, %swap3A_52], %swap3A_55 {strides = array<i32>} : memref<3128x16xf32, #tpu.memory_space<vmem>>, vector<1x16xf32>,
    }
    %scan3A_5 = arith.constant 3128 : i32
    %mul3A = arith.constant 3128 : i32
    %mul3A_6 = arith.muli %arg1, %mul3A : i32
    "tpu.region"() ({
      %run_scoped3A = tpu.sem_alloc : memref<!tpu.dma_semaphore, #tpu.memory_space<semaphore_mem>>
      %dma_start3A = arith.constant 0 : i32
      %dma_start3A_51 = tpu.memref_slice %arg16[%mul3A_6, %dma_start3A] : memref<50048x16xf32, #tpu.memory_space<vmem_shared>> -> memref<3128x16xf32, #tpu.memory_space<vmem_shared>>
      %dma_start3A_52 = arith.constant 0 : i32
      %dma_start3A_53 = tpu.memref_slice %arg16[%mul3A_6, %dma_start3A_52] : memref<50048x16xf32, #tpu.memory_space<vmem_shared>> -> memref<3128x16xf32, #tpu.memory_space<vmem_shared>>
      tpu.enqueue_dma source(%arg15 : memref<3128x16xf32, #tpu.memory_space<vmem>>) target(%dma_start3A_53 : memref<3128x16xf32, #tpu.memory_space<vmem_shared>>) target_semaphore(%run_scoped3A : memref<!tpu.dma_semaphore, #tpu.memory_space<semaphore_mem>>)
      %dma_wait3A = arith.constant 0 : i32
      %dma_wait3A_54 = tpu.memref_slice %arg16[%mul3A_6, %dma_wait3A] : memref<50048x16xf32, #tpu.memory_space<vmem_shared>> -> memref<3128x16xf32, #tpu.memory_space<vmem_shared>>
      %dma_wait3A_55 = arith.constant 0 : i32
      %dma_wait3A_56 = tpu.memref_slice %arg16[%mul3A_6, %dma_wait3A_55] : memref<50048x16xf32, #tpu.memory_space<vmem_shared>> -> memref<3128x16xf32, #tpu.memory_space<vmem_shared>>
      tpu.wait_dma2 semaphore(%run_scoped3A : memref<!tpu.dma_semaphore, #tpu.memory_space<semaphore_mem>>) src(%arg15 : memref<3128x16xf32, #tpu.memory_space<vmem>>) dst(%dma_wait3A_56 : memref<3128x16xf32, #tpu.memory_space<vmem_shared>>)
      tpu.yield
    }) : () -> ()
    %barrier3A = arith.constant 0 : index
    tpu.barrier barrier_id(%barrier3A)
    %scan3A_7 = arith.constant 0 : i32
    %scan3A_8 = arith.constant 0 : i32
    %scan3A_9 = arith.constant 625 : i32
    %scan3A_10 = arith.addi %scan3A_8, %scan3A_9 : i32
    %scan3A_11 = arith.constant 1 : i32
    scf.for %scan3A_51 = %scan3A_8 to %scan3A_10 step %scan3A_11  : i32 {
      %mul3A_52 = arith.constant 50000 : i32
      %mul3A_53 = arith.muli %arg1, %mul3A_52 : i32
      %mul3A_54 = arith.constant 80 : i32
      %mul3A_55 = arith.muli %scan3A_51, %mul3A_54 : i32
      %add3A = arith.addi %mul3A_53, %mul3A_55 : i32
      "tpu.region"() ({
        %run_scoped3A = tpu.sem_alloc : memref<!tpu.dma_semaphore, #tpu.memory_space<semaphore_mem>>
        %dma_start3A = tpu.memref_slice %arg6[%add3A] : memref<800000xi32, #tpu.memory_space<hbm>> -> memref<80xi32, #tpu.memory_space<hbm>>
        %dma_start3A_66 = tpu.memref_slice %arg6[%add3A] : memref<800000xi32, #tpu.memory_space<hbm>> -> memref<80xi32, #tpu.memory_space<hbm>>
        tpu.enqueue_dma source(%dma_start3A_66 : memref<80xi32, #tpu.memory_space<hbm>>) target(%arg12 : memref<80xi32, #tpu.memory_space<vmem>>) target_semaphore(%run_scoped3A : memref<!tpu.dma_semaphore, #tpu.memory_space<semaphore_mem>>)
        %dma_wait3A = tpu.memref_slice %arg6[%add3A] : memref<800000xi32, #tpu.memory_space<hbm>> -> memref<80xi32, #tpu.memory_space<hbm>>
        %dma_wait3A_67 = tpu.memref_slice %arg6[%add3A] : memref<800000xi32, #tpu.memory_space<hbm>> -> memref<80xi32, #tpu.memory_space<hbm>>
        tpu.wait_dma2 semaphore(%run_scoped3A : memref<!tpu.dma_semaphore, #tpu.memory_space<semaphore_mem>>) src(%dma_wait3A_67 : memref<80xi32, #tpu.memory_space<hbm>>) dst(%arg12 : memref<80xi32, #tpu.memory_space<vmem>>)
        tpu.yield
      }) : () -> ()
      "tpu.region"() ({
        %run_scoped3A = tpu.sem_alloc : memref<!tpu.dma_semaphore, #tpu.memory_space<semaphore_mem>>
        %dma_start3A = tpu.memref_slice %arg7[%add3A] : memref<800000xi32, #tpu.memory_space<hbm>> -> memref<80xi32, #tpu.memory_space<hbm>>
        %dma_start3A_66 = tpu.memref_slice %arg7[%add3A] : memref<800000xi32, #tpu.memory_space<hbm>> -> memref<80xi32, #tpu.memory_space<hbm>>
        tpu.enqueue_dma source(%dma_start3A_66 : memref<80xi32, #tpu.memory_space<hbm>>) target(%arg13 : memref<80xi32, #tpu.memory_space<vmem>>) target_semaphore(%run_scoped3A : memref<!tpu.dma_semaphore, #tpu.memory_space<semaphore_mem>>)
        %dma_wait3A = tpu.memref_slice %arg7[%add3A] : memref<800000xi32, #tpu.memory_space<hbm>> -> memref<80xi32, #tpu.memory_space<hbm>>
        %dma_wait3A_67 = tpu.memref_slice %arg7[%add3A] : memref<800000xi32, #tpu.memory_space<hbm>> -> memref<80xi32, #tpu.memory_space<hbm>>
        tpu.wait_dma2 semaphore(%run_scoped3A : memref<!tpu.dma_semaphore, #tpu.memory_space<semaphore_mem>>) src(%dma_wait3A_67 : memref<80xi32, #tpu.memory_space<hbm>>) dst(%arg13 : memref<80xi32, #tpu.memory_space<vmem>>)
        tpu.yield
      }) : () -> ()
      %eq3A_56 = arith.constant 0 : i32
      %eq3A_57 = arith.cmpi eq, %arg0, %eq3A_56 : i32
      %convert_element_type3A_58 = arith.extui %eq3A_57 : i1 to i32
      %cond3A_59 = arith.constant 0 : i32
      %cond3A_60 = arith.cmpi ne, %convert_element_type3A_58, %cond3A_59 : i32
      scf.if %cond3A_60 {
        %dma_start3A = arith.constant 0 : i32
        %dma_start3A_66 = arith.constant 0 : i32
        %dma_start3A_67 = tpu.memref_slice %arg2[%dma_start3A, %dma_start3A_66] : memref<50000x16xf32, #tpu.memory_space<hbm>> -> memref<50000x16xf32, #tpu.memory_space<hbm>>
        tpu.enqueue_indirect_dma source(%dma_start3A_67 : memref<50000x16xf32, #tpu.memory_space<hbm>>) target(%arg14 : memref<80x16xf32, #tpu.memory_space<vmem>>) offsets(%arg12 : memref<80xi32, #tpu.memory_space<vmem>>) semaphore(%arg17 : memref<!tpu.dma_semaphore, #tpu.memory_space<semaphore_mem>>)
        %dma_wait3A = arith.constant 0 : i32
        %dma_wait3A_68 = arith.constant 0 : i32
        %dma_wait3A_69 = tpu.memref_slice %arg2[%dma_wait3A, %dma_wait3A_68] : memref<50000x16xf32, #tpu.memory_space<hbm>> -> memref<50000x16xf32, #tpu.memory_space<hbm>>
        tpu.wait_indirect_dma semaphore(%arg17 : memref<!tpu.dma_semaphore, #tpu.memory_space<semaphore_mem>>) src(%dma_wait3A_69 : memref<50000x16xf32, #tpu.memory_space<hbm>>) dst(%arg14 : memref<80x16xf32, #tpu.memory_space<vmem>>)
      } else {
      }
      %eq3A_61 = arith.constant 1 : i32
      %eq3A_62 = arith.cmpi eq, %arg0, %eq3A_61 : i32
      %convert_element_type3A_63 = arith.extui %eq3A_62 : i1 to i32
      %cond3A_64 = arith.constant 0 : i32
      %cond3A_65 = arith.cmpi ne, %convert_element_type3A_63, %cond3A_64 : i32
      scf.if %cond3A_65 {
        %dma_start3A = arith.constant 0 : i32
        %dma_start3A_66 = arith.constant 0 : i32
        %dma_start3A_67 = tpu.memref_slice %arg4[%dma_start3A, %dma_start3A_66] : memref<50000x16xf32, #tpu.memory_space<hbm>> -> memref<50000x16xf32, #tpu.memory_space<hbm>>
        tpu.enqueue_indirect_dma source(%dma_start3A_67 : memref<50000x16xf32, #tpu.memory_space<hbm>>) target(%arg14 : memref<80x16xf32, #tpu.memory_space<vmem>>) offsets(%arg12 : memref<80xi32, #tpu.memory_space<vmem>>) semaphore(%arg17 : memref<!tpu.dma_semaphore, #tpu.memory_space<semaphore_mem>>)
        %dma_wait3A = arith.constant 0 : i32
        %dma_wait3A_68 = arith.constant 0 : i32
        %dma_wait3A_69 = tpu.memref_slice %arg4[%dma_wait3A, %dma_wait3A_68] : memref<50000x16xf32, #tpu.memory_space<hbm>> -> memref<50000x16xf32, #tpu.memory_space<hbm>>
        tpu.wait_indirect_dma semaphore(%arg17 : memref<!tpu.dma_semaphore, #tpu.memory_space<semaphore_mem>>) src(%dma_wait3A_69 : memref<50000x16xf32, #tpu.memory_space<hbm>>) dst(%arg14 : memref<80x16xf32, #tpu.memory_space<vmem>>)
      } else {
      }
      "tpu.region"() ({
        %run_scoped3A = tpu.sem_alloc : memref<!tpu.dma_semaphore, #tpu.memory_space<semaphore_mem>>
        %dma_start3A = arith.constant 0 : i32
        %dma_start3A_66 = arith.constant 0 : i32
        %dma_start3A_67 = tpu.memref_slice %arg16[%dma_start3A, %dma_start3A_66] : memref<50048x16xf32, #tpu.memory_space<vmem_shared>> -> memref<50048x16xf32, #tpu.memory_space<vmem_shared>>
        tpu.enqueue_indirect_dma source(%arg14 : memref<80x16xf32, #tpu.memory_space<vmem>>) target(%dma_start3A_67 : memref<50048x16xf32, #tpu.memory_space<vmem_shared>>) offsets(%arg13 : memref<80xi32, #tpu.memory_space<vmem>>) semaphore(%run_scoped3A : memref<!tpu.dma_semaphore, #tpu.memory_space<semaphore_mem>>) {add = true}
        %dma_wait3A = arith.constant 0 : i32
        %dma_wait3A_68 = arith.constant 0 : i32
        %dma_wait3A_69 = tpu.memref_slice %arg16[%dma_wait3A, %dma_wait3A_68] : memref<50048x16xf32, #tpu.memory_space<vmem_shared>> -> memref<50048x16xf32, #tpu.memory_space<vmem_shared>>
        tpu.wait_indirect_dma semaphore(%run_scoped3A : memref<!tpu.dma_semaphore, #tpu.memory_space<semaphore_mem>>) src(%arg14 : memref<80x16xf32, #tpu.memory_space<vmem>>) dst(%dma_wait3A_69 : memref<50048x16xf32, #tpu.memory_space<vmem_shared>>)
        tpu.yield
      }) : () -> ()
    }
    %scan3A_12 = arith.constant 625 : i32
    %barrier3A_13 = arith.constant 0 : index
    tpu.barrier barrier_id(%barrier3A_13)
    %mul3A_14 = arith.constant 3128 : i32
    %mul3A_15 = arith.muli %arg1, %mul3A_14 : i32
    "tpu.region"() ({
      %run_scoped3A = tpu.sem_alloc : memref<!tpu.dma_semaphore, #tpu.memory_space<semaphore_mem>>
      %dma_start3A = arith.constant 0 : i32
      %dma_start3A_51 = tpu.memref_slice %arg16[%mul3A_15, %dma_start3A] : memref<50048x16xf32, #tpu.memory_space<vmem_shared>> -> memref<3128x16xf32, #tpu.memory_space<vmem_shared>>
      %dma_start3A_52 = arith.constant 0 : i32
      %dma_start3A_53 = tpu.memref_slice %arg16[%mul3A_15, %dma_start3A_52] : memref<50048x16xf32, #tpu.memory_space<vmem_shared>> -> memref<3128x16xf32, #tpu.memory_space<vmem_shared>>
      tpu.enqueue_dma source(%dma_start3A_53 : memref<3128x16xf32, #tpu.memory_space<vmem_shared>>) target(%arg15 : memref<3128x16xf32, #tpu.memory_space<vmem>>) target_semaphore(%run_scoped3A : memref<!tpu.dma_semaphore, #tpu.memory_space<semaphore_mem>>)
      %dma_wait3A = arith.constant 0 : i32
      %dma_wait3A_54 = tpu.memref_slice %arg16[%mul3A_15, %dma_wait3A] : memref<50048x16xf32, #tpu.memory_space<vmem_shared>> -> memref<3128x16xf32, #tpu.memory_space<vmem_shared>>
      %dma_wait3A_55 = arith.constant 0 : i32
      %dma_wait3A_56 = tpu.memref_slice %arg16[%mul3A_15, %dma_wait3A_55] : memref<50048x16xf32, #tpu.memory_space<vmem_shared>> -> memref<3128x16xf32, #tpu.memory_space<vmem_shared>>
      tpu.wait_dma2 semaphore(%run_scoped3A : memref<!tpu.dma_semaphore, #tpu.memory_space<semaphore_mem>>) src(%dma_wait3A_56 : memref<3128x16xf32, #tpu.memory_space<vmem_shared>>) dst(%arg15 : memref<3128x16xf32, #tpu.memory_space<vmem>>)
      tpu.yield
    }) : () -> ()
    %eq3A = arith.constant 0 : i32
    %eq3A_16 = arith.cmpi eq, %arg0, %eq3A : i32
    %convert_element_type3A = arith.extui %eq3A_16 : i1 to i32
    %cond3A = arith.constant 0 : i32
    %cond3A_17 = arith.cmpi ne, %convert_element_type3A, %cond3A : i32
    scf.if %cond3A_17 {
      %mul3A_51 = arith.constant 3128 : i32
      %mul3A_52 = arith.muli %arg1, %mul3A_51 : i32
      "tpu.region"() ({
        %run_scoped3A = tpu.sem_alloc : memref<!tpu.dma_semaphore, #tpu.memory_space<semaphore_mem>>
        %dma_start3A = arith.constant 0 : i32
        %dma_start3A_53 = tpu.memref_slice %arg8[%mul3A_52, %dma_start3A] : memref<50048x16xf32, #tpu.memory_space<hbm>> -> memref<3128x16xf32, #tpu.memory_space<hbm>>
        %dma_start3A_54 = arith.constant 0 : i32
        %dma_start3A_55 = tpu.memref_slice %arg8[%mul3A_52, %dma_start3A_54] : memref<50048x16xf32, #tpu.memory_space<hbm>> -> memref<3128x16xf32, #tpu.memory_space<hbm>>
        tpu.enqueue_dma source(%arg15 : memref<3128x16xf32, #tpu.memory_space<vmem>>) target(%dma_start3A_55 : memref<3128x16xf32, #tpu.memory_space<hbm>>) target_semaphore(%run_scoped3A : memref<!tpu.dma_semaphore, #tpu.memory_space<semaphore_mem>>)
        %dma_wait3A = arith.constant 0 : i32
        %dma_wait3A_56 = tpu.memref_slice %arg8[%mul3A_52, %dma_wait3A] : memref<50048x16xf32, #tpu.memory_space<hbm>> -> memref<3128x16xf32, #tpu.memory_space<hbm>>
        %dma_wait3A_57 = arith.constant 0 : i32
        %dma_wait3A_58 = tpu.memref_slice %arg8[%mul3A_52, %dma_wait3A_57] : memref<50048x16xf32, #tpu.memory_space<hbm>> -> memref<3128x16xf32, #tpu.memory_space<hbm>>
        tpu.wait_dma2 semaphore(%run_scoped3A : memref<!tpu.dma_semaphore, #tpu.memory_space<semaphore_mem>>) src(%arg15 : memref<3128x16xf32, #tpu.memory_space<vmem>>) dst(%dma_wait3A_58 : memref<3128x16xf32, #tpu.memory_space<hbm>>)
        tpu.yield
      }) : () -> ()
    } else {
    }
    %eq3A_18 = arith.constant 1 : i32
    %eq3A_19 = arith.cmpi eq, %arg0, %eq3A_18 : i32
    %convert_element_type3A_20 = arith.extui %eq3A_19 : i1 to i32
    %cond3A_21 = arith.constant 0 : i32
    %cond3A_22 = arith.cmpi ne, %convert_element_type3A_20, %cond3A_21 : i32
    scf.if %cond3A_22 {
      %mul3A_51 = arith.constant 3128 : i32
      %mul3A_52 = arith.muli %arg1, %mul3A_51 : i32
      "tpu.region"() ({
        %run_scoped3A = tpu.sem_alloc : memref<!tpu.dma_semaphore, #tpu.memory_space<semaphore_mem>>
        %dma_start3A = arith.constant 0 : i32
        %dma_start3A_53 = tpu.memref_slice %arg10[%mul3A_52, %dma_start3A] : memref<50048x16xf32, #tpu.memory_space<hbm>> -> memref<3128x16xf32, #tpu.memory_space<hbm>>
        %dma_start3A_54 = arith.constant 0 : i32
        %dma_start3A_55 = tpu.memref_slice %arg10[%mul3A_52, %dma_start3A_54] : memref<50048x16xf32, #tpu.memory_space<hbm>> -> memref<3128x16xf32, #tpu.memory_space<hbm>>
        tpu.enqueue_dma source(%arg15 : memref<3128x16xf32, #tpu.memory_space<vmem>>) target(%dma_start3A_55 : memref<3128x16xf32, #tpu.memory_space<hbm>>) target_semaphore(%run_scoped3A : memref<!tpu.dma_semaphore, #tpu.memory_space<semaphore_mem>>)
        %dma_wait3A = arith.constant 0 : i32
        %dma_wait3A_56 = tpu.memref_slice %arg10[%mul3A_52, %dma_wait3A] : memref<50048x16xf32, #tpu.memory_space<hbm>> -> memref<3128x16xf32, #tpu.memory_space<hbm>>
        %dma_wait3A_57 = arith.constant 0 : i32
        %dma_wait3A_58 = tpu.memref_slice %arg10[%mul3A_52, %dma_wait3A_57] : memref<50048x16xf32, #tpu.memory_space<hbm>> -> memref<3128x16xf32, #tpu.memory_space<hbm>>
        tpu.wait_dma2 semaphore(%run_scoped3A : memref<!tpu.dma_semaphore, #tpu.memory_space<semaphore_mem>>) src(%arg15 : memref<3128x16xf32, #tpu.memory_space<vmem>>) dst(%dma_wait3A_58 : memref<3128x16xf32, #tpu.memory_space<hbm>>)
        tpu.yield
      }) : () -> ()
    } else {
    }
    %scan3A_23 = arith.constant 0 : i32
    %scan3A_24 = arith.constant 0 : i32
    %scan3A_25 = arith.constant 3128 : i32
    %scan3A_26 = arith.addi %scan3A_24, %scan3A_25 : i32
    %scan3A_27 = arith.constant 1 : i32
    scf.for %scan3A_51 = %scan3A_24 to %scan3A_26 step %scan3A_27  : i32 {
      %swap3A = arith.index_cast %scan3A_51 : i32 to index
      %swap3A_52 = arith.constant 0 : index
      %swap3A_53 = tpu.vector_load %arg15[%swap3A, %swap3A_52] {strides = array<i32>} : memref<3128x16xf32, #tpu.memory_space<vmem>>, vector<1x16xf32>,
      %swap3A_54 = vector.shape_cast %swap3A_53 : vector<1x16xf32> to vector<16xf32>
      %swap3A_55 = vector.shape_cast %broadcast_in_dim3A_0 : vector<16xf32> to vector<1x16xf32>
      tpu.vector_store %arg15[%swap3A, %swap3A_52], %swap3A_55 {strides = array<i32>} : memref<3128x16xf32, #tpu.memory_space<vmem>>, vector<1x16xf32>,
    }
    %scan3A_28 = arith.constant 3128 : i32
    %mul3A_29 = arith.constant 3128 : i32
    %mul3A_30 = arith.muli %arg1, %mul3A_29 : i32
    "tpu.region"() ({
      %run_scoped3A = tpu.sem_alloc : memref<!tpu.dma_semaphore, #tpu.memory_space<semaphore_mem>>
      %dma_start3A = arith.constant 0 : i32
      %dma_start3A_51 = tpu.memref_slice %arg16[%mul3A_30, %dma_start3A] : memref<50048x16xf32, #tpu.memory_space<vmem_shared>> -> memref<3128x16xf32, #tpu.memory_space<vmem_shared>>
      %dma_start3A_52 = arith.constant 0 : i32
      %dma_start3A_53 = tpu.memref_slice %arg16[%mul3A_30, %dma_start3A_52] : memref<50048x16xf32, #tpu.memory_space<vmem_shared>> -> memref<3128x16xf32, #tpu.memory_space<vmem_shared>>
      tpu.enqueue_dma source(%arg15 : memref<3128x16xf32, #tpu.memory_space<vmem>>) target(%dma_start3A_53 : memref<3128x16xf32, #tpu.memory_space<vmem_shared>>) target_semaphore(%run_scoped3A : memref<!tpu.dma_semaphore, #tpu.memory_space<semaphore_mem>>)
      %dma_wait3A = arith.constant 0 : i32
      %dma_wait3A_54 = tpu.memref_slice %arg16[%mul3A_30, %dma_wait3A] : memref<50048x16xf32, #tpu.memory_space<vmem_shared>> -> memref<3128x16xf32, #tpu.memory_space<vmem_shared>>
      %dma_wait3A_55 = arith.constant 0 : i32
      %dma_wait3A_56 = tpu.memref_slice %arg16[%mul3A_30, %dma_wait3A_55] : memref<50048x16xf32, #tpu.memory_space<vmem_shared>> -> memref<3128x16xf32, #tpu.memory_space<vmem_shared>>
      tpu.wait_dma2 semaphore(%run_scoped3A : memref<!tpu.dma_semaphore, #tpu.memory_space<semaphore_mem>>) src(%arg15 : memref<3128x16xf32, #tpu.memory_space<vmem>>) dst(%dma_wait3A_56 : memref<3128x16xf32, #tpu.memory_space<vmem_shared>>)
      tpu.yield
    }) : () -> ()
    %barrier3A_31 = arith.constant 0 : index
    tpu.barrier barrier_id(%barrier3A_31)
    %scan3A_32 = arith.constant 0 : i32
    %scan3A_33 = arith.constant 0 : i32
    %scan3A_34 = arith.constant 625 : i32
    %scan3A_35 = arith.addi %scan3A_33, %scan3A_34 : i32
    %scan3A_36 = arith.constant 1 : i32
    scf.for %scan3A_51 = %scan3A_33 to %scan3A_35 step %scan3A_36  : i32 {
      %mul3A_52 = arith.constant 50000 : i32
      %mul3A_53 = arith.muli %arg1, %mul3A_52 : i32
      %mul3A_54 = arith.constant 80 : i32
      %mul3A_55 = arith.muli %scan3A_51, %mul3A_54 : i32
      %add3A = arith.addi %mul3A_53, %mul3A_55 : i32
      "tpu.region"() ({
        %run_scoped3A = tpu.sem_alloc : memref<!tpu.dma_semaphore, #tpu.memory_space<semaphore_mem>>
        %dma_start3A = tpu.memref_slice %arg6[%add3A] : memref<800000xi32, #tpu.memory_space<hbm>> -> memref<80xi32, #tpu.memory_space<hbm>>
        %dma_start3A_66 = tpu.memref_slice %arg6[%add3A] : memref<800000xi32, #tpu.memory_space<hbm>> -> memref<80xi32, #tpu.memory_space<hbm>>
        tpu.enqueue_dma source(%dma_start3A_66 : memref<80xi32, #tpu.memory_space<hbm>>) target(%arg12 : memref<80xi32, #tpu.memory_space<vmem>>) target_semaphore(%run_scoped3A : memref<!tpu.dma_semaphore, #tpu.memory_space<semaphore_mem>>)
        %dma_wait3A = tpu.memref_slice %arg6[%add3A] : memref<800000xi32, #tpu.memory_space<hbm>> -> memref<80xi32, #tpu.memory_space<hbm>>
        %dma_wait3A_67 = tpu.memref_slice %arg6[%add3A] : memref<800000xi32, #tpu.memory_space<hbm>> -> memref<80xi32, #tpu.memory_space<hbm>>
        tpu.wait_dma2 semaphore(%run_scoped3A : memref<!tpu.dma_semaphore, #tpu.memory_space<semaphore_mem>>) src(%dma_wait3A_67 : memref<80xi32, #tpu.memory_space<hbm>>) dst(%arg12 : memref<80xi32, #tpu.memory_space<vmem>>)
        tpu.yield
      }) : () -> ()
      "tpu.region"() ({
        %run_scoped3A = tpu.sem_alloc : memref<!tpu.dma_semaphore, #tpu.memory_space<semaphore_mem>>
        %dma_start3A = tpu.memref_slice %arg7[%add3A] : memref<800000xi32, #tpu.memory_space<hbm>> -> memref<80xi32, #tpu.memory_space<hbm>>
        %dma_start3A_66 = tpu.memref_slice %arg7[%add3A] : memref<800000xi32, #tpu.memory_space<hbm>> -> memref<80xi32, #tpu.memory_space<hbm>>
        tpu.enqueue_dma source(%dma_start3A_66 : memref<80xi32, #tpu.memory_space<hbm>>) target(%arg13 : memref<80xi32, #tpu.memory_space<vmem>>) target_semaphore(%run_scoped3A : memref<!tpu.dma_semaphore, #tpu.memory_space<semaphore_mem>>)
        %dma_wait3A = tpu.memref_slice %arg7[%add3A] : memref<800000xi32, #tpu.memory_space<hbm>> -> memref<80xi32, #tpu.memory_space<hbm>>
        %dma_wait3A_67 = tpu.memref_slice %arg7[%add3A] : memref<800000xi32, #tpu.memory_space<hbm>> -> memref<80xi32, #tpu.memory_space<hbm>>
        tpu.wait_dma2 semaphore(%run_scoped3A : memref<!tpu.dma_semaphore, #tpu.memory_space<semaphore_mem>>) src(%dma_wait3A_67 : memref<80xi32, #tpu.memory_space<hbm>>) dst(%arg13 : memref<80xi32, #tpu.memory_space<vmem>>)
        tpu.yield
      }) : () -> ()
      %eq3A_56 = arith.constant 0 : i32
      %eq3A_57 = arith.cmpi eq, %arg0, %eq3A_56 : i32
      %convert_element_type3A_58 = arith.extui %eq3A_57 : i1 to i32
      %cond3A_59 = arith.constant 0 : i32
      %cond3A_60 = arith.cmpi ne, %convert_element_type3A_58, %cond3A_59 : i32
      scf.if %cond3A_60 {
        %dma_start3A = arith.constant 0 : i32
        %dma_start3A_66 = arith.constant 0 : i32
        %dma_start3A_67 = tpu.memref_slice %arg3[%dma_start3A, %dma_start3A_66] : memref<50000x16xf32, #tpu.memory_space<hbm>> -> memref<50000x16xf32, #tpu.memory_space<hbm>>
        tpu.enqueue_indirect_dma source(%dma_start3A_67 : memref<50000x16xf32, #tpu.memory_space<hbm>>) target(%arg14 : memref<80x16xf32, #tpu.memory_space<vmem>>) offsets(%arg12 : memref<80xi32, #tpu.memory_space<vmem>>) semaphore(%arg17 : memref<!tpu.dma_semaphore, #tpu.memory_space<semaphore_mem>>)
        %dma_wait3A = arith.constant 0 : i32
        %dma_wait3A_68 = arith.constant 0 : i32
        %dma_wait3A_69 = tpu.memref_slice %arg3[%dma_wait3A, %dma_wait3A_68] : memref<50000x16xf32, #tpu.memory_space<hbm>> -> memref<50000x16xf32, #tpu.memory_space<hbm>>
        tpu.wait_indirect_dma semaphore(%arg17 : memref<!tpu.dma_semaphore, #tpu.memory_space<semaphore_mem>>) src(%dma_wait3A_69 : memref<50000x16xf32, #tpu.memory_space<hbm>>) dst(%arg14 : memref<80x16xf32, #tpu.memory_space<vmem>>)
      } else {
      }
      %eq3A_61 = arith.constant 1 : i32
      %eq3A_62 = arith.cmpi eq, %arg0, %eq3A_61 : i32
      %convert_element_type3A_63 = arith.extui %eq3A_62 : i1 to i32
      %cond3A_64 = arith.constant 0 : i32
      %cond3A_65 = arith.cmpi ne, %convert_element_type3A_63, %cond3A_64 : i32
      scf.if %cond3A_65 {
        %dma_start3A = arith.constant 0 : i32
        %dma_start3A_66 = arith.constant 0 : i32
        %dma_start3A_67 = tpu.memref_slice %arg5[%dma_start3A, %dma_start3A_66] : memref<50000x16xf32, #tpu.memory_space<hbm>> -> memref<50000x16xf32, #tpu.memory_space<hbm>>
        tpu.enqueue_indirect_dma source(%dma_start3A_67 : memref<50000x16xf32, #tpu.memory_space<hbm>>) target(%arg14 : memref<80x16xf32, #tpu.memory_space<vmem>>) offsets(%arg12 : memref<80xi32, #tpu.memory_space<vmem>>) semaphore(%arg17 : memref<!tpu.dma_semaphore, #tpu.memory_space<semaphore_mem>>)
        %dma_wait3A = arith.constant 0 : i32
        %dma_wait3A_68 = arith.constant 0 : i32
        %dma_wait3A_69 = tpu.memref_slice %arg5[%dma_wait3A, %dma_wait3A_68] : memref<50000x16xf32, #tpu.memory_space<hbm>> -> memref<50000x16xf32, #tpu.memory_space<hbm>>
        tpu.wait_indirect_dma semaphore(%arg17 : memref<!tpu.dma_semaphore, #tpu.memory_space<semaphore_mem>>) src(%dma_wait3A_69 : memref<50000x16xf32, #tpu.memory_space<hbm>>) dst(%arg14 : memref<80x16xf32, #tpu.memory_space<vmem>>)
      } else {
      }
      "tpu.region"() ({
        %run_scoped3A = tpu.sem_alloc : memref<!tpu.dma_semaphore, #tpu.memory_space<semaphore_mem>>
        %dma_start3A = arith.constant 0 : i32
        %dma_start3A_66 = arith.constant 0 : i32
        %dma_start3A_67 = tpu.memref_slice %arg16[%dma_start3A, %dma_start3A_66] : memref<50048x16xf32, #tpu.memory_space<vmem_shared>> -> memref<50048x16xf32, #tpu.memory_space<vmem_shared>>
        tpu.enqueue_indirect_dma source(%arg14 : memref<80x16xf32, #tpu.memory_space<vmem>>) target(%dma_start3A_67 : memref<50048x16xf32, #tpu.memory_space<vmem_shared>>) offsets(%arg13 : memref<80xi32, #tpu.memory_space<vmem>>) semaphore(%run_scoped3A : memref<!tpu.dma_semaphore, #tpu.memory_space<semaphore_mem>>) {add = true}
        %dma_wait3A = arith.constant 0 : i32
        %dma_wait3A_68 = arith.constant 0 : i32
        %dma_wait3A_69 = tpu.memref_slice %arg16[%dma_wait3A, %dma_wait3A_68] : memref<50048x16xf32, #tpu.memory_space<vmem_shared>> -> memref<50048x16xf32, #tpu.memory_space<vmem_shared>>
        tpu.wait_indirect_dma semaphore(%run_scoped3A : memref<!tpu.dma_semaphore, #tpu.memory_space<semaphore_mem>>) src(%arg14 : memref<80x16xf32, #tpu.memory_space<vmem>>) dst(%dma_wait3A_69 : memref<50048x16xf32, #tpu.memory_space<vmem_shared>>)
        tpu.yield
      }) : () -> ()
    }
    %scan3A_37 = arith.constant 625 : i32
    %barrier3A_38 = arith.constant 0 : index
    tpu.barrier barrier_id(%barrier3A_38)
    %mul3A_39 = arith.constant 3128 : i32
    %mul3A_40 = arith.muli %arg1, %mul3A_39 : i32
    "tpu.region"() ({
      %run_scoped3A = tpu.sem_alloc : memref<!tpu.dma_semaphore, #tpu.memory_space<semaphore_mem>>
      %dma_start3A = arith.constant 0 : i32
      %dma_start3A_51 = tpu.memref_slice %arg16[%mul3A_40, %dma_start3A] : memref<50048x16xf32, #tpu.memory_space<vmem_shared>> -> memref<3128x16xf32, #tpu.memory_space<vmem_shared>>
      %dma_start3A_52 = arith.constant 0 : i32
      %dma_start3A_53 = tpu.memref_slice %arg16[%mul3A_40, %dma_start3A_52] : memref<50048x16xf32, #tpu.memory_space<vmem_shared>> -> memref<3128x16xf32, #tpu.memory_space<vmem_shared>>
      tpu.enqueue_dma source(%dma_start3A_53 : memref<3128x16xf32, #tpu.memory_space<vmem_shared>>) target(%arg15 : memref<3128x16xf32, #tpu.memory_space<vmem>>) target_semaphore(%run_scoped3A : memref<!tpu.dma_semaphore, #tpu.memory_space<semaphore_mem>>)
      %dma_wait3A = arith.constant 0 : i32
      %dma_wait3A_54 = tpu.memref_slice %arg16[%mul3A_40, %dma_wait3A] : memref<50048x16xf32, #tpu.memory_space<vmem_shared>> -> memref<3128x16xf32, #tpu.memory_space<vmem_shared>>
      %dma_wait3A_55 = arith.constant 0 : i32
      %dma_wait3A_56 = tpu.memref_slice %arg16[%mul3A_40, %dma_wait3A_55] : memref<50048x16xf32, #tpu.memory_space<vmem_shared>> -> memref<3128x16xf32, #tpu.memory_space<vmem_shared>>
      tpu.wait_dma2 semaphore(%run_scoped3A : memref<!tpu.dma_semaphore, #tpu.memory_space<semaphore_mem>>) src(%dma_wait3A_56 : memref<3128x16xf32, #tpu.memory_space<vmem_shared>>) dst(%arg15 : memref<3128x16xf32, #tpu.memory_space<vmem>>)
      tpu.yield
    }) : () -> ()
    %eq3A_41 = arith.constant 0 : i32
    %eq3A_42 = arith.cmpi eq, %arg0, %eq3A_41 : i32
    %convert_element_type3A_43 = arith.extui %eq3A_42 : i1 to i32
    %cond3A_44 = arith.constant 0 : i32
    %cond3A_45 = arith.cmpi ne, %convert_element_type3A_43, %cond3A_44 : i32
    scf.if %cond3A_45 {
      %mul3A_51 = arith.constant 3128 : i32
      %mul3A_52 = arith.muli %arg1, %mul3A_51 : i32
      "tpu.region"() ({
        %run_scoped3A = tpu.sem_alloc : memref<!tpu.dma_semaphore, #tpu.memory_space<semaphore_mem>>
        %dma_start3A = arith.constant 0 : i32
        %dma_start3A_53 = tpu.memref_slice %arg9[%mul3A_52, %dma_start3A] : memref<50048x16xf32, #tpu.memory_space<hbm>> -> memref<3128x16xf32, #tpu.memory_space<hbm>>
        %dma_start3A_54 = arith.constant 0 : i32
        %dma_start3A_55 = tpu.memref_slice %arg9[%mul3A_52, %dma_start3A_54] : memref<50048x16xf32, #tpu.memory_space<hbm>> -> memref<3128x16xf32, #tpu.memory_space<hbm>>
        tpu.enqueue_dma source(%arg15 : memref<3128x16xf32, #tpu.memory_space<vmem>>) target(%dma_start3A_55 : memref<3128x16xf32, #tpu.memory_space<hbm>>) target_semaphore(%run_scoped3A : memref<!tpu.dma_semaphore, #tpu.memory_space<semaphore_mem>>)
        %dma_wait3A = arith.constant 0 : i32
        %dma_wait3A_56 = tpu.memref_slice %arg9[%mul3A_52, %dma_wait3A] : memref<50048x16xf32, #tpu.memory_space<hbm>> -> memref<3128x16xf32, #tpu.memory_space<hbm>>
        %dma_wait3A_57 = arith.constant 0 : i32
        %dma_wait3A_58 = tpu.memref_slice %arg9[%mul3A_52, %dma_wait3A_57] : memref<50048x16xf32, #tpu.memory_space<hbm>> -> memref<3128x16xf32, #tpu.memory_space<hbm>>
        tpu.wait_dma2 semaphore(%run_scoped3A : memref<!tpu.dma_semaphore, #tpu.memory_space<semaphore_mem>>) src(%arg15 : memref<3128x16xf32, #tpu.memory_space<vmem>>) dst(%dma_wait3A_58 : memref<3128x16xf32, #tpu.memory_space<hbm>>)
        tpu.yield
      }) : () -> ()
    } else {
    }
    %eq3A_46 = arith.constant 1 : i32
    %eq3A_47 = arith.cmpi eq, %arg0, %eq3A_46 : i32
    %convert_element_type3A_48 = arith.extui %eq3A_47 : i1 to i32
    %cond3A_49 = arith.constant 0 : i32
    %cond3A_50 = arith.cmpi ne, %convert_element_type3A_48, %cond3A_49 : i32
    scf.if %cond3A_50 {
      %mul3A_51 = arith.constant 3128 : i32
      %mul3A_52 = arith.muli %arg1, %mul3A_51 : i32
      "tpu.region"() ({
        %run_scoped3A = tpu.sem_alloc : memref<!tpu.dma_semaphore, #tpu.memory_space<semaphore_mem>>
        %dma_start3A = arith.constant 0 : i32
        %dma_start3A_53 = tpu.memref_slice %arg11[%mul3A_52, %dma_start3A] : memref<50048x16xf32, #tpu.memory_space<hbm>> -> memref<3128x16xf32, #tpu.memory_space<hbm>>
        %dma_start3A_54 = arith.constant 0 : i32
        %dma_start3A_55 = tpu.memref_slice %arg11[%mul3A_52, %dma_start3A_54] : memref<50048x16xf32, #tpu.memory_space<hbm>> -> memref<3128x16xf32, #tpu.memory_space<hbm>>
        tpu.enqueue_dma source(%arg15 : memref<3128x16xf32, #tpu.memory_space<vmem>>) target(%dma_start3A_55 : memref<3128x16xf32, #tpu.memory_space<hbm>>) target_semaphore(%run_scoped3A : memref<!tpu.dma_semaphore, #tpu.memory_space<semaphore_mem>>)
        %dma_wait3A = arith.constant 0 : i32
        %dma_wait3A_56 = tpu.memref_slice %arg11[%mul3A_52, %dma_wait3A] : memref<50048x16xf32, #tpu.memory_space<hbm>> -> memref<3128x16xf32, #tpu.memory_space<hbm>>
        %dma_wait3A_57 = arith.constant 0 : i32
        %dma_wait3A_58 = tpu.memref_slice %arg11[%mul3A_52, %dma_wait3A_57] : memref<50048x16xf32, #tpu.memory_space<hbm>> -> memref<3128x16xf32, #tpu.memory_space<hbm>>
        tpu.wait_dma2 semaphore(%run_scoped3A : memref<!tpu.dma_semaphore, #tpu.memory_space<semaphore_mem>>) src(%arg15 : memref<3128x16xf32, #tpu.memory_space<vmem>>) dst(%dma_wait3A_58 : memref<3128x16xf32, #tpu.memory_space<hbm>>)
        tpu.yield
      }) : () -> ()
    } else {
    }
    return
  }
}

#map = affine_map<(d0, d1) -> (0)>
module attributes {stable_mosaic.version = 14 : i64} {
  func.func @_deg_kernel(%arg0: i32, %arg1: i32, %arg2: memref<800000xi32, #tpu.memory_space<hbm>>, %arg3: memref<40xf32, #tpu.memory_space<hbm>>, %arg4: memref<50176xf32, #tpu.memory_space<hbm>>, %arg5: memref<50176xf32, #tpu.memory_space<hbm>>, %arg6: memref<40xi32, #tpu.memory_space<vmem>>, %arg7: memref<40xf32, #tpu.memory_space<vmem>>, %arg8: memref<3136xf32, #tpu.memory_space<vmem>>, %arg9: memref<50176xf32, #tpu.memory_space<vmem_shared>>) attributes {dimension_semantics = [#tpu.dimension_semantics<core_parallel>, #tpu.dimension_semantics<subcore_parallel>], iteration_bounds = array<i64: 2, 16>, scalar_prefetch = 0 : i64, scratch_operands = 4 : i64, tpu.core_type = #tpu.core_type<sc_vector_subcore>, window_params = [{transform_indices = #map}, {transform_indices = #map}, {transform_indices = #map}, {transform_indices = #map}]} {
    %broadcast_in_dim3A = arith.constant 0.000000e+00 : f32
    %broadcast_in_dim3A_0 = vector.broadcast %broadcast_in_dim3A : f32 to vector<16xf32>
    %scan3A = arith.constant 0 : i32
    %scan3A_1 = arith.constant 0 : i32
    %scan3A_2 = arith.constant 196 : i32
    %scan3A_3 = arith.addi %scan3A_1, %scan3A_2 : i32
    %scan3A_4 = arith.constant 1 : i32
    scf.for %scan3A_23 = %scan3A_1 to %scan3A_3 step %scan3A_4  : i32 {
      %mul3A_24 = arith.constant 16 : i32
      %mul3A_25 = arith.muli %scan3A_23, %mul3A_24 : i32
      %swap3A = arith.index_cast %mul3A_25 : i32 to index
      %swap3A_26 = tpu.vector_load %arg8[%swap3A] {strides = array<i32>} : memref<3136xf32, #tpu.memory_space<vmem>>, vector<16xf32>,
      %swap3A_27 = vector.shape_cast %swap3A_26 : vector<16xf32> to vector<16xf32>
      %swap3A_28 = vector.shape_cast %broadcast_in_dim3A_0 : vector<16xf32> to vector<16xf32>
      tpu.vector_store %arg8[%swap3A], %swap3A_28 {strides = array<i32>} : memref<3136xf32, #tpu.memory_space<vmem>>, vector<16xf32>,
    }
    %scan3A_5 = arith.constant 196 : i32
    %mul3A = arith.constant 3136 : i32
    %mul3A_6 = arith.muli %arg1, %mul3A : i32
    "tpu.region"() ({
      %run_scoped3A = tpu.sem_alloc : memref<!tpu.dma_semaphore, #tpu.memory_space<semaphore_mem>>
      %dma_start3A = tpu.memref_slice %arg9[%mul3A_6] : memref<50176xf32, #tpu.memory_space<vmem_shared>> -> memref<3136xf32, #tpu.memory_space<vmem_shared>>
      %dma_start3A_23 = tpu.memref_slice %arg9[%mul3A_6] : memref<50176xf32, #tpu.memory_space<vmem_shared>> -> memref<3136xf32, #tpu.memory_space<vmem_shared>>
      tpu.enqueue_dma source(%arg8 : memref<3136xf32, #tpu.memory_space<vmem>>) target(%dma_start3A_23 : memref<3136xf32, #tpu.memory_space<vmem_shared>>) target_semaphore(%run_scoped3A : memref<!tpu.dma_semaphore, #tpu.memory_space<semaphore_mem>>)
      %dma_wait3A = tpu.memref_slice %arg9[%mul3A_6] : memref<50176xf32, #tpu.memory_space<vmem_shared>> -> memref<3136xf32, #tpu.memory_space<vmem_shared>>
      %dma_wait3A_24 = tpu.memref_slice %arg9[%mul3A_6] : memref<50176xf32, #tpu.memory_space<vmem_shared>> -> memref<3136xf32, #tpu.memory_space<vmem_shared>>
      tpu.wait_dma2 semaphore(%run_scoped3A : memref<!tpu.dma_semaphore, #tpu.memory_space<semaphore_mem>>) src(%arg8 : memref<3136xf32, #tpu.memory_space<vmem>>) dst(%dma_wait3A_24 : memref<3136xf32, #tpu.memory_space<vmem_shared>>)
      tpu.yield
    }) : () -> ()
    "tpu.region"() ({
      %run_scoped3A = tpu.sem_alloc : memref<!tpu.dma_semaphore, #tpu.memory_space<semaphore_mem>>
      tpu.enqueue_dma source(%arg3 : memref<40xf32, #tpu.memory_space<hbm>>) target(%arg7 : memref<40xf32, #tpu.memory_space<vmem>>) target_semaphore(%run_scoped3A : memref<!tpu.dma_semaphore, #tpu.memory_space<semaphore_mem>>)
      tpu.wait_dma2 semaphore(%run_scoped3A : memref<!tpu.dma_semaphore, #tpu.memory_space<semaphore_mem>>) src(%arg3 : memref<40xf32, #tpu.memory_space<hbm>>) dst(%arg7 : memref<40xf32, #tpu.memory_space<vmem>>)
      tpu.yield
    }) : () -> ()
    %barrier3A = arith.constant 0 : index
    tpu.barrier barrier_id(%barrier3A)
    %scan3A_7 = arith.constant 0 : i32
    %scan3A_8 = arith.constant 0 : i32
    %scan3A_9 = arith.constant 625 : i32
    %scan3A_10 = arith.addi %scan3A_8, %scan3A_9 : i32
    %scan3A_11 = arith.constant 1 : i32
    scf.for %scan3A_23 = %scan3A_8 to %scan3A_10 step %scan3A_11  : i32 {
      %mul3A_24 = arith.constant 400000 : i32
      %mul3A_25 = arith.muli %arg0, %mul3A_24 : i32
      %mul3A_26 = arith.constant 25000 : i32
      %mul3A_27 = arith.muli %arg1, %mul3A_26 : i32
      %add3A = arith.addi %mul3A_25, %mul3A_27 : i32
      %mul3A_28 = arith.constant 40 : i32
      %mul3A_29 = arith.muli %scan3A_23, %mul3A_28 : i32
      %add3A_30 = arith.addi %add3A, %mul3A_29 : i32
      "tpu.region"() ({
        %run_scoped3A = tpu.sem_alloc : memref<!tpu.dma_semaphore, #tpu.memory_space<semaphore_mem>>
        %dma_start3A = tpu.memref_slice %arg2[%add3A_30] : memref<800000xi32, #tpu.memory_space<hbm>> -> memref<40xi32, #tpu.memory_space<hbm>>
        %dma_start3A_31 = tpu.memref_slice %arg2[%add3A_30] : memref<800000xi32, #tpu.memory_space<hbm>> -> memref<40xi32, #tpu.memory_space<hbm>>
        tpu.enqueue_dma source(%dma_start3A_31 : memref<40xi32, #tpu.memory_space<hbm>>) target(%arg6 : memref<40xi32, #tpu.memory_space<vmem>>) target_semaphore(%run_scoped3A : memref<!tpu.dma_semaphore, #tpu.memory_space<semaphore_mem>>)
        %dma_wait3A = tpu.memref_slice %arg2[%add3A_30] : memref<800000xi32, #tpu.memory_space<hbm>> -> memref<40xi32, #tpu.memory_space<hbm>>
        %dma_wait3A_32 = tpu.memref_slice %arg2[%add3A_30] : memref<800000xi32, #tpu.memory_space<hbm>> -> memref<40xi32, #tpu.memory_space<hbm>>
        tpu.wait_dma2 semaphore(%run_scoped3A : memref<!tpu.dma_semaphore, #tpu.memory_space<semaphore_mem>>) src(%dma_wait3A_32 : memref<40xi32, #tpu.memory_space<hbm>>) dst(%arg6 : memref<40xi32, #tpu.memory_space<vmem>>)
        tpu.yield
      }) : () -> ()
      "tpu.region"() ({
        %run_scoped3A = tpu.sem_alloc : memref<!tpu.dma_semaphore, #tpu.memory_space<semaphore_mem>>
        %dma_start3A = arith.constant 0 : i32
        %dma_start3A_31 = tpu.memref_slice %arg9[%dma_start3A] : memref<50176xf32, #tpu.memory_space<vmem_shared>> -> memref<50176xf32, #tpu.memory_space<vmem_shared>>
        tpu.enqueue_indirect_dma source(%arg7 : memref<40xf32, #tpu.memory_space<vmem>>) target(%dma_start3A_31 : memref<50176xf32, #tpu.memory_space<vmem_shared>>) offsets(%arg6 : memref<40xi32, #tpu.memory_space<vmem>>) semaphore(%run_scoped3A : memref<!tpu.dma_semaphore, #tpu.memory_space<semaphore_mem>>) {add = true}
        %dma_wait3A = arith.constant 0 : i32
        %dma_wait3A_32 = tpu.memref_slice %arg9[%dma_wait3A] : memref<50176xf32, #tpu.memory_space<vmem_shared>> -> memref<50176xf32, #tpu.memory_space<vmem_shared>>
        tpu.wait_indirect_dma semaphore(%run_scoped3A : memref<!tpu.dma_semaphore, #tpu.memory_space<semaphore_mem>>) src(%arg7 : memref<40xf32, #tpu.memory_space<vmem>>) dst(%dma_wait3A_32 : memref<50176xf32, #tpu.memory_space<vmem_shared>>)
        tpu.yield
      }) : () -> ()
    }
    %scan3A_12 = arith.constant 625 : i32
    %barrier3A_13 = arith.constant 0 : index
    tpu.barrier barrier_id(%barrier3A_13)
    %mul3A_14 = arith.constant 3136 : i32
    %mul3A_15 = arith.muli %arg1, %mul3A_14 : i32
    "tpu.region"() ({
      %run_scoped3A = tpu.sem_alloc : memref<!tpu.dma_semaphore, #tpu.memory_space<semaphore_mem>>
      %dma_start3A = tpu.memref_slice %arg9[%mul3A_15] : memref<50176xf32, #tpu.memory_space<vmem_shared>> -> memref<3136xf32, #tpu.memory_space<vmem_shared>>
      %dma_start3A_23 = tpu.memref_slice %arg9[%mul3A_15] : memref<50176xf32, #tpu.memory_space<vmem_shared>> -> memref<3136xf32, #tpu.memory_space<vmem_shared>>
      tpu.enqueue_dma source(%dma_start3A_23 : memref<3136xf32, #tpu.memory_space<vmem_shared>>) target(%arg8 : memref<3136xf32, #tpu.memory_space<vmem>>) target_semaphore(%run_scoped3A : memref<!tpu.dma_semaphore, #tpu.memory_space<semaphore_mem>>)
      %dma_wait3A = tpu.memref_slice %arg9[%mul3A_15] : memref<50176xf32, #tpu.memory_space<vmem_shared>> -> memref<3136xf32, #tpu.memory_space<vmem_shared>>
      %dma_wait3A_24 = tpu.memref_slice %arg9[%mul3A_15] : memref<50176xf32, #tpu.memory_space<vmem_shared>> -> memref<3136xf32, #tpu.memory_space<vmem_shared>>
      tpu.wait_dma2 semaphore(%run_scoped3A : memref<!tpu.dma_semaphore, #tpu.memory_space<semaphore_mem>>) src(%dma_wait3A_24 : memref<3136xf32, #tpu.memory_space<vmem_shared>>) dst(%arg8 : memref<3136xf32, #tpu.memory_space<vmem>>)
      tpu.yield
    }) : () -> ()
    %eq3A = arith.constant 0 : i32
    %eq3A_16 = arith.cmpi eq, %arg0, %eq3A : i32
    %convert_element_type3A = arith.extui %eq3A_16 : i1 to i32
    %cond3A = arith.constant 0 : i32
    %cond3A_17 = arith.cmpi ne, %convert_element_type3A, %cond3A : i32
    scf.if %cond3A_17 {
      %mul3A_23 = arith.constant 3136 : i32
      %mul3A_24 = arith.muli %arg1, %mul3A_23 : i32
      "tpu.region"() ({
        %run_scoped3A = tpu.sem_alloc : memref<!tpu.dma_semaphore, #tpu.memory_space<semaphore_mem>>
        %dma_start3A = tpu.memref_slice %arg4[%mul3A_24] : memref<50176xf32, #tpu.memory_space<hbm>> -> memref<3136xf32, #tpu.memory_space<hbm>>
        %dma_start3A_25 = tpu.memref_slice %arg4[%mul3A_24] : memref<50176xf32, #tpu.memory_space<hbm>> -> memref<3136xf32, #tpu.memory_space<hbm>>
        tpu.enqueue_dma source(%arg8 : memref<3136xf32, #tpu.memory_space<vmem>>) target(%dma_start3A_25 : memref<3136xf32, #tpu.memory_space<hbm>>) target_semaphore(%run_scoped3A : memref<!tpu.dma_semaphore, #tpu.memory_space<semaphore_mem>>)
        %dma_wait3A = tpu.memref_slice %arg4[%mul3A_24] : memref<50176xf32, #tpu.memory_space<hbm>> -> memref<3136xf32, #tpu.memory_space<hbm>>
        %dma_wait3A_26 = tpu.memref_slice %arg4[%mul3A_24] : memref<50176xf32, #tpu.memory_space<hbm>> -> memref<3136xf32, #tpu.memory_space<hbm>>
        tpu.wait_dma2 semaphore(%run_scoped3A : memref<!tpu.dma_semaphore, #tpu.memory_space<semaphore_mem>>) src(%arg8 : memref<3136xf32, #tpu.memory_space<vmem>>) dst(%dma_wait3A_26 : memref<3136xf32, #tpu.memory_space<hbm>>)
        tpu.yield
      }) : () -> ()
    } else {
    }
    %eq3A_18 = arith.constant 1 : i32
    %eq3A_19 = arith.cmpi eq, %arg0, %eq3A_18 : i32
    %convert_element_type3A_20 = arith.extui %eq3A_19 : i1 to i32
    %cond3A_21 = arith.constant 0 : i32
    %cond3A_22 = arith.cmpi ne, %convert_element_type3A_20, %cond3A_21 : i32
    scf.if %cond3A_22 {
      %mul3A_23 = arith.constant 3136 : i32
      %mul3A_24 = arith.muli %arg1, %mul3A_23 : i32
      "tpu.region"() ({
        %run_scoped3A = tpu.sem_alloc : memref<!tpu.dma_semaphore, #tpu.memory_space<semaphore_mem>>
        %dma_start3A = tpu.memref_slice %arg5[%mul3A_24] : memref<50176xf32, #tpu.memory_space<hbm>> -> memref<3136xf32, #tpu.memory_space<hbm>>
        %dma_start3A_25 = tpu.memref_slice %arg5[%mul3A_24] : memref<50176xf32, #tpu.memory_space<hbm>> -> memref<3136xf32, #tpu.memory_space<hbm>>
        tpu.enqueue_dma source(%arg8 : memref<3136xf32, #tpu.memory_space<vmem>>) target(%dma_start3A_25 : memref<3136xf32, #tpu.memory_space<hbm>>) target_semaphore(%run_scoped3A : memref<!tpu.dma_semaphore, #tpu.memory_space<semaphore_mem>>)
        %dma_wait3A = tpu.memref_slice %arg5[%mul3A_24] : memref<50176xf32, #tpu.memory_space<hbm>> -> memref<3136xf32, #tpu.memory_space<hbm>>
        %dma_wait3A_26 = tpu.memref_slice %arg5[%mul3A_24] : memref<50176xf32, #tpu.memory_space<hbm>> -> memref<3136xf32, #tpu.memory_space<hbm>>
        tpu.wait_dma2 semaphore(%run_scoped3A : memref<!tpu.dma_semaphore, #tpu.memory_space<semaphore_mem>>) src(%arg8 : memref<3136xf32, #tpu.memory_space<vmem>>) dst(%dma_wait3A_26 : memref<3136xf32, #tpu.memory_space<hbm>>)
        tpu.yield
      }) : () -> ()
    } else {
    }
    return
  }
}

module attributes {stable_mosaic.version = 14 : i64} {
  func.func @_k1_body(%arg0: i32, %arg1: memref<400x128xf32, #tpu.memory_space<vmem>>, %arg2: memref<128x64xf32, #tpu.memory_space<vmem>>, %arg3: memref<1x1x400xf32, #tpu.memory_space<vmem>>, %arg4: memref<1x1x400xf32, #tpu.memory_space<vmem>>, %arg5: memref<1x1x400xf32, #tpu.memory_space<vmem>>, %arg6: memref<400x16xf32, #tpu.memory_space<vmem>>, %arg7: memref<400x16xf32, #tpu.memory_space<vmem>>, %arg8: memref<400x16xf32, #tpu.memory_space<vmem>>, %arg9: memref<400x16xf32, #tpu.memory_space<vmem>>) attributes {dimension_semantics = [#tpu.dimension_semantics<arbitrary>], iteration_bounds = array<i64: 125>, scalar_prefetch = 0 : i64, scratch_operands = 0 : i64, tpu.core_type = #tpu.core_type<tc>, window_params = [{transform_indices = @transform_0, window_bounds = array<i64: 400, 128>}, {pipeline_mode = #tpu.pipeline_mode<synchronous>, transform_indices = @transform_1, window_bounds = array<i64: 128, 64>}, {transform_indices = @transform_2, window_bounds = array<i64: 1, 1, 400>}, {transform_indices = @transform_3, window_bounds = array<i64: 1, 1, 400>}, {transform_indices = @transform_4, window_bounds = array<i64: 1, 1, 400>}, {transform_indices = @transform_5, window_bounds = array<i64: 400, 16>}, {transform_indices = @transform_6, window_bounds = array<i64: 400, 16>}, {transform_indices = @transform_7, window_bounds = array<i64: 400, 16>}, {transform_indices = @transform_8, window_bounds = array<i64: 400, 16>}]} {
    %get3A = arith.constant 0 : index
    %get3A_0 = arith.constant 0 : index
    %get3A_1 = vector.load %arg1[%get3A, %get3A_0] : memref<400x128xf32, #tpu.memory_space<vmem>>, vector<400x128xf32>
    %get3A_2 = arith.constant 0 : index
    %get3A_3 = arith.constant 0 : index
    %get3A_4 = vector.load %arg2[%get3A_2, %get3A_3] : memref<128x64xf32, #tpu.memory_space<vmem>>, vector<128x64xf32>
    %dot_general3A = arith.constant dense<0.000000e+00> : vector<400x64xf32>
    %dot_general3A_5 = tpu.matmul %get3A_1, %get3A_4, %dot_general3A {dimension_numbers = #tpu.dot_dimension_numbers<[1], [0], [0], [1], [0, 0, 1, 1], [], []>, transpose_lhs_hint = false} : vector<400x128xf32>, vector<128x64xf32>, vector<400x64xf32> -> vector<400x64xf32>
    %get3A_6 = arith.constant 0 : index
    %get3A_7 = arith.constant 0 : index
    %get3A_8 = arith.constant 0 : index
    %get3A_9 = vector.load %arg3[%get3A_6, %get3A_7, %get3A_8] : memref<1x1x400xf32, #tpu.memory_space<vmem>>, vector<1x1x400xf32>
    %get3A_10 = vector.shape_cast %get3A_9 : vector<1x1x400xf32> to vector<400xf32>
    %add3A = arith.constant 1.000000e+00 : f32
    %add3A_11 = vector.broadcast %add3A : f32 to vector<400xf32>
    %add3A_12 = arith.addf %add3A_11, %get3A_10 : vector<400xf32>
    %get3A_13 = arith.constant 0 : index
    %get3A_14 = arith.constant 0 : index
    %get3A_15 = arith.constant 0 : index
    %get3A_16 = vector.load %arg4[%get3A_13, %get3A_14, %get3A_15] : memref<1x1x400xf32, #tpu.memory_space<vmem>>, vector<1x1x400xf32>
    %get3A_17 = vector.shape_cast %get3A_16 : vector<1x1x400xf32> to vector<400xf32>
    %add3A_18 = arith.addf %add3A_12, %get3A_17 : vector<400xf32>
    %rsqrt3A = math.rsqrt %add3A_18 : vector<400xf32>
    %swap3A = arith.constant 0 : index
    %swap3A_19 = arith.constant 0 : index
    %swap3A_20 = arith.constant 0 : index
    %swap3A_21 = vector.load %arg5[%swap3A, %swap3A_19, %swap3A_20] : memref<1x1x400xf32, #tpu.memory_space<vmem>>, vector<1x1x400xf32>
    %swap3A_22 = vector.shape_cast %swap3A_21 : vector<1x1x400xf32> to vector<400xf32>
    %swap3A_23 = vector.shape_cast %rsqrt3A : vector<400xf32> to vector<1x1x400xf32>
    tpu.vector_store %arg5[%swap3A, %swap3A_19, %swap3A_20], %swap3A_23 {strides = array<i32>} : memref<1x1x400xf32, #tpu.memory_space<vmem>>, vector<1x1x400xf32>,
    %reshape3A = vector.shape_cast %rsqrt3A : vector<400xf32> to vector<400x1xf32>
    %mul3A = vector.broadcast %reshape3A : vector<400x1xf32> to vector<400x64xf32>
    %mul3A_24 = arith.mulf %dot_general3A_5, %mul3A : vector<400x64xf32>
    %slice3A = vector.extract_strided_slice %mul3A_24 {offsets = [0, 0], sizes = [400, 16], strides = [1, 1]} : vector<400x64xf32> to vector<400x16xf32>
    %swap3A_25 = arith.constant 0 : index
    %swap3A_26 = arith.constant 0 : index
    %swap3A_27 = vector.load %arg6[%swap3A_25, %swap3A_26] : memref<400x16xf32, #tpu.memory_space<vmem>>, vector<400x16xf32>
    tpu.vector_store %arg6[%swap3A_25, %swap3A_26], %slice3A {strides = array<i32>} : memref<400x16xf32, #tpu.memory_space<vmem>>, vector<400x16xf32>,
    %slice3A_28 = vector.extract_strided_slice %mul3A_24 {offsets = [0, 16], sizes = [400, 16], strides = [1, 1]} : vector<400x64xf32> to vector<400x16xf32>
    %swap3A_29 = arith.constant 0 : index
    %swap3A_30 = arith.constant 0 : index
    %swap3A_31 = vector.load %arg7[%swap3A_29, %swap3A_30] : memref<400x16xf32, #tpu.memory_space<vmem>>, vector<400x16xf32>
    tpu.vector_store %arg7[%swap3A_29, %swap3A_30], %slice3A_28 {strides = array<i32>} : memref<400x16xf32, #tpu.memory_space<vmem>>, vector<400x16xf32>,
    %slice3A_32 = vector.extract_strided_slice %mul3A_24 {offsets = [0, 32], sizes = [400, 16], strides = [1, 1]} : vector<400x64xf32> to vector<400x16xf32>
    %swap3A_33 = arith.constant 0 : index
    %swap3A_34 = arith.constant 0 : index
    %swap3A_35 = vector.load %arg8[%swap3A_33, %swap3A_34] : memref<400x16xf32, #tpu.memory_space<vmem>>, vector<400x16xf32>
    tpu.vector_store %arg8[%swap3A_33, %swap3A_34], %slice3A_32 {strides = array<i32>} : memref<400x16xf32, #tpu.memory_space<vmem>>, vector<400x16xf32>,
    %slice3A_36 = vector.extract_strided_slice %mul3A_24 {offsets = [0, 48], sizes = [400, 16], strides = [1, 1]} : vector<400x64xf32> to vector<400x16xf32>
    %swap3A_37 = arith.constant 0 : index
    %swap3A_38 = arith.constant 0 : index
    %swap3A_39 = vector.load %arg9[%swap3A_37, %swap3A_38] : memref<400x16xf32, #tpu.memory_space<vmem>>, vector<400x16xf32>
    tpu.vector_store %arg9[%swap3A_37, %swap3A_38], %slice3A_36 {strides = array<i32>} : memref<400x16xf32, #tpu.memory_space<vmem>>, vector<400x16xf32>,
    return
  }
  func.func @transform_0(%arg0: i32) -> (i32, i32) {
    %c0_i32 = arith.constant 0 : i32
    %c0_i32_0 = arith.constant 0 : i32
    return %arg0, %c0_i32 : i32, i32
  }
  func.func @transform_1(%arg0: i32) -> (i32, i32) {
    %c0_i32 = arith.constant 0 : i32
    %c0_i32_0 = arith.constant 0 : i32
    %c0_i32_1 = arith.constant 0 : i32
    return %c0_i32, %c0_i32_0 : i32, i32
  }
  func.func @transform_2(%arg0: i32) -> (i32, i32, i32) {
    %c0_i32 = arith.constant 0 : i32
    %c0_i32_0 = arith.constant 0 : i32
    %c0_i32_1 = arith.constant 0 : i32
    return %arg0, %c0_i32, %c0_i32_0 : i32, i32, i32
  }
  func.func @transform_3(%arg0: i32) -> (i32, i32, i32) {
    %c0_i32 = arith.constant 0 : i32
    %c0_i32_0 = arith.constant 0 : i32
    %c0_i32_1 = arith.constant 0 : i32
    return %arg0, %c0_i32, %c0_i32_0 : i32, i32, i32
  }
  func.func @transform_4(%arg0: i32) -> (i32, i32, i32) {
    %c0_i32 = arith.constant 0 : i32
    %c0_i32_0 = arith.constant 0 : i32
    %c0_i32_1 = arith.constant 0 : i32
    return %arg0, %c0_i32, %c0_i32_0 : i32, i32, i32
  }
  func.func @transform_5(%arg0: i32) -> (i32, i32) {
    %c0_i32 = arith.constant 0 : i32
    %c0_i32_0 = arith.constant 0 : i32
    return %arg0, %c0_i32 : i32, i32
  }
  func.func @transform_6(%arg0: i32) -> (i32, i32) {
    %c0_i32 = arith.constant 0 : i32
    %c0_i32_0 = arith.constant 0 : i32
    return %arg0, %c0_i32 : i32, i32
  }
  func.func @transform_7(%arg0: i32) -> (i32, i32) {
    %c0_i32 = arith.constant 0 : i32
    %c0_i32_0 = arith.constant 0 : i32
    return %arg0, %c0_i32 : i32, i32
  }
  func.func @transform_8(%arg0: i32) -> (i32, i32) {
    %c0_i32 = arith.constant 0 : i32
    %c0_i32_0 = arith.constant 0 : i32
    return %arg0, %c0_i32 : i32, i32
  }
}

module attributes {stable_mosaic.version = 14 : i64} {
  func.func @_k3_body(%arg0: i32, %arg1: memref<400x16xf32, #tpu.memory_space<vmem>>, %arg2: memref<400x16xf32, #tpu.memory_space<vmem>>, %arg3: memref<400x16xf32, #tpu.memory_space<vmem>>, %arg4: memref<400x16xf32, #tpu.memory_space<vmem>>, %arg5: memref<400x16xf32, #tpu.memory_space<vmem>>, %arg6: memref<400x16xf32, #tpu.memory_space<vmem>>, %arg7: memref<400x16xf32, #tpu.memory_space<vmem>>, %arg8: memref<400x16xf32, #tpu.memory_space<vmem>>, %arg9: memref<1x1x400xf32, #tpu.memory_space<vmem>>, %arg10: memref<1x64xf32, #tpu.memory_space<vmem>>, %arg11: memref<64x64xf32, #tpu.memory_space<vmem>>, %arg12: memref<400x16xf32, #tpu.memory_space<vmem>>, %arg13: memref<400x16xf32, #tpu.memory_space<vmem>>, %arg14: memref<400x16xf32, #tpu.memory_space<vmem>>, %arg15: memref<400x16xf32, #tpu.memory_space<vmem>>) attributes {dimension_semantics = [#tpu.dimension_semantics<arbitrary>], iteration_bounds = array<i64: 125>, scalar_prefetch = 0 : i64, scratch_operands = 0 : i64, tpu.core_type = #tpu.core_type<tc>, window_params = [{transform_indices = @transform_0, window_bounds = array<i64: 400, 16>}, {transform_indices = @transform_1, window_bounds = array<i64: 400, 16>}, {transform_indices = @transform_2, window_bounds = array<i64: 400, 16>}, {transform_indices = @transform_3, window_bounds = array<i64: 400, 16>}, {transform_indices = @transform_4, window_bounds = array<i64: 400, 16>}, {transform_indices = @transform_5, window_bounds = array<i64: 400, 16>}, {transform_indices = @transform_6, window_bounds = array<i64: 400, 16>}, {transform_indices = @transform_7, window_bounds = array<i64: 400, 16>}, {transform_indices = @transform_8, window_bounds = array<i64: 1, 1, 400>}, {pipeline_mode = #tpu.pipeline_mode<synchronous>, transform_indices = @transform_9, window_bounds = array<i64: 1, 64>}, {pipeline_mode = #tpu.pipeline_mode<synchronous>, transform_indices = @transform_10, window_bounds = array<i64: 64, 64>}, {transform_indices = @transform_11, window_bounds = array<i64: 400, 16>}, {transform_indices = @transform_12, window_bounds = array<i64: 400, 16>}, {transform_indices = @transform_13, window_bounds = array<i64: 400, 16>}, {transform_indices = @transform_14, window_bounds = array<i64: 400, 16>}]} {
    %get3A = arith.constant 0 : index
    %get3A_0 = arith.constant 0 : index
    %get3A_1 = arith.constant 0 : index
    %get3A_2 = vector.load %arg9[%get3A, %get3A_0, %get3A_1] : memref<1x1x400xf32, #tpu.memory_space<vmem>>, vector<1x1x400xf32>
    %get3A_3 = vector.shape_cast %get3A_2 : vector<1x1x400xf32> to vector<400xf32>
    %reshape3A = vector.shape_cast %get3A_3 : vector<400xf32> to vector<400x1xf32>
    %get3A_4 = arith.constant 0 : index
    %get3A_5 = arith.constant 0 : index
    %get3A_6 = vector.load %arg1[%get3A_4, %get3A_5] : memref<400x16xf32, #tpu.memory_space<vmem>>, vector<400x16xf32>
    %get3A_7 = arith.constant 0 : index
    %get3A_8 = arith.constant 0 : index
    %get3A_9 = vector.load %arg5[%get3A_7, %get3A_8] : memref<400x16xf32, #tpu.memory_space<vmem>>, vector<400x16xf32>
    %add3A = arith.addf %get3A_6, %get3A_9 : vector<400x16xf32>
    %get3A_10 = arith.constant 0 : index
    %get3A_11 = arith.constant 0 : index
    %get3A_12 = vector.load %arg2[%get3A_10, %get3A_11] : memref<400x16xf32, #tpu.memory_space<vmem>>, vector<400x16xf32>
    %get3A_13 = arith.constant 0 : index
    %get3A_14 = arith.constant 0 : index
    %get3A_15 = vector.load %arg6[%get3A_13, %get3A_14] : memref<400x16xf32, #tpu.memory_space<vmem>>, vector<400x16xf32>
    %add3A_16 = arith.addf %get3A_12, %get3A_15 : vector<400x16xf32>
    %get3A_17 = arith.constant 0 : index
    %get3A_18 = arith.constant 0 : index
    %get3A_19 = vector.load %arg3[%get3A_17, %get3A_18] : memref<400x16xf32, #tpu.memory_space<vmem>>, vector<400x16xf32>
    %get3A_20 = arith.constant 0 : index
    %get3A_21 = arith.constant 0 : index
    %get3A_22 = vector.load %arg7[%get3A_20, %get3A_21] : memref<400x16xf32, #tpu.memory_space<vmem>>, vector<400x16xf32>
    %add3A_23 = arith.addf %get3A_19, %get3A_22 : vector<400x16xf32>
    %get3A_24 = arith.constant 0 : index
    %get3A_25 = arith.constant 0 : index
    %get3A_26 = vector.load %arg4[%get3A_24, %get3A_25] : memref<400x16xf32, #tpu.memory_space<vmem>>, vector<400x16xf32>
    %get3A_27 = arith.constant 0 : index
    %get3A_28 = arith.constant 0 : index
    %get3A_29 = vector.load %arg8[%get3A_27, %get3A_28] : memref<400x16xf32, #tpu.memory_space<vmem>>, vector<400x16xf32>
    %add3A_30 = arith.addf %get3A_26, %get3A_29 : vector<400x16xf32>
    %concatenate3A = tpu.concatenate %add3A, %add3A_16, %add3A_23, %add3A_30 in 1 : vector<400x16xf32>, vector<400x16xf32>, vector<400x16xf32>, vector<400x16xf32> -> vector<400x64xf32>
    %mul3A = vector.broadcast %reshape3A : vector<400x1xf32> to vector<400x64xf32>
    %mul3A_31 = arith.mulf %concatenate3A, %mul3A : vector<400x64xf32>
    %get3A_32 = arith.constant 0 : index
    %get3A_33 = arith.constant 0 : index
    %get3A_34 = vector.load %arg10[%get3A_32, %get3A_33] : memref<1x64xf32, #tpu.memory_space<vmem>>, vector<1x64xf32>
    %add3A_35 = vector.broadcast %get3A_34 : vector<1x64xf32> to vector<400x64xf32>
    %add3A_36 = arith.addf %mul3A_31, %add3A_35 : vector<400x64xf32>
    %max3A = arith.constant 0.000000e+00 : f32
    %max3A_37 = vector.broadcast %max3A : f32 to vector<400x64xf32>
    %max3A_38 = arith.maximumf %add3A_36, %max3A_37 : vector<400x64xf32>
    %get3A_39 = arith.constant 0 : index
    %get3A_40 = arith.constant 0 : index
    %get3A_41 = vector.load %arg11[%get3A_39, %get3A_40] : memref<64x64xf32, #tpu.memory_space<vmem>>, vector<64x64xf32>
    %dot_general3A = arith.constant dense<0.000000e+00> : vector<400x64xf32>
    %dot_general3A_42 = tpu.matmul %max3A_38, %get3A_41, %dot_general3A {dimension_numbers = #tpu.dot_dimension_numbers<[1], [0], [0], [1], [0, 0, 1, 1], [], []>, transpose_lhs_hint = false} : vector<400x64xf32>, vector<64x64xf32>, vector<400x64xf32> -> vector<400x64xf32>
    %mul3A_43 = vector.broadcast %reshape3A : vector<400x1xf32> to vector<400x64xf32>
    %mul3A_44 = arith.mulf %dot_general3A_42, %mul3A_43 : vector<400x64xf32>
    %slice3A = vector.extract_strided_slice %mul3A_44 {offsets = [0, 0], sizes = [400, 16], strides = [1, 1]} : vector<400x64xf32> to vector<400x16xf32>
    %swap3A = arith.constant 0 : index
    %swap3A_45 = arith.constant 0 : index
    %swap3A_46 = vector.load %arg12[%swap3A, %swap3A_45] : memref<400x16xf32, #tpu.memory_space<vmem>>, vector<400x16xf32>
    tpu.vector_store %arg12[%swap3A, %swap3A_45], %slice3A {strides = array<i32>} : memref<400x16xf32, #tpu.memory_space<vmem>>, vector<400x16xf32>,
    %slice3A_47 = vector.extract_strided_slice %mul3A_44 {offsets = [0, 16], sizes = [400, 16], strides = [1, 1]} : vector<400x64xf32> to vector<400x16xf32>
    %swap3A_48 = arith.constant 0 : index
    %swap3A_49 = arith.constant 0 : index
    %swap3A_50 = vector.load %arg13[%swap3A_48, %swap3A_49] : memref<400x16xf32, #tpu.memory_space<vmem>>, vector<400x16xf32>
    tpu.vector_store %arg13[%swap3A_48, %swap3A_49], %slice3A_47 {strides = array<i32>} : memref<400x16xf32, #tpu.memory_space<vmem>>, vector<400x16xf32>,
    %slice3A_51 = vector.extract_strided_slice %mul3A_44 {offsets = [0, 32], sizes = [400, 16], strides = [1, 1]} : vector<400x64xf32> to vector<400x16xf32>
    %swap3A_52 = arith.constant 0 : index
    %swap3A_53 = arith.constant 0 : index
    %swap3A_54 = vector.load %arg14[%swap3A_52, %swap3A_53] : memref<400x16xf32, #tpu.memory_space<vmem>>, vector<400x16xf32>
    tpu.vector_store %arg14[%swap3A_52, %swap3A_53], %slice3A_51 {strides = array<i32>} : memref<400x16xf32, #tpu.memory_space<vmem>>, vector<400x16xf32>,
    %slice3A_55 = vector.extract_strided_slice %mul3A_44 {offsets = [0, 48], sizes = [400, 16], strides = [1, 1]} : vector<400x64xf32> to vector<400x16xf32>
    %swap3A_56 = arith.constant 0 : index
    %swap3A_57 = arith.constant 0 : index
    %swap3A_58 = vector.load %arg15[%swap3A_56, %swap3A_57] : memref<400x16xf32, #tpu.memory_space<vmem>>, vector<400x16xf32>
    tpu.vector_store %arg15[%swap3A_56, %swap3A_57], %slice3A_55 {strides = array<i32>} : memref<400x16xf32, #tpu.memory_space<vmem>>, vector<400x16xf32>,
    return
  }
  func.func @transform_0(%arg0: i32) -> (i32, i32) {
    %c0_i32 = arith.constant 0 : i32
    %c0_i32_0 = arith.constant 0 : i32
    return %arg0, %c0_i32 : i32, i32
  }
  func.func @transform_1(%arg0: i32) -> (i32, i32) {
    %c0_i32 = arith.constant 0 : i32
    %c0_i32_0 = arith.constant 0 : i32
    return %arg0, %c0_i32 : i32, i32
  }
  func.func @transform_2(%arg0: i32) -> (i32, i32) {
    %c0_i32 = arith.constant 0 : i32
    %c0_i32_0 = arith.constant 0 : i32
    return %arg0, %c0_i32 : i32, i32
  }
  func.func @transform_3(%arg0: i32) -> (i32, i32) {
    %c0_i32 = arith.constant 0 : i32
    %c0_i32_0 = arith.constant 0 : i32
    return %arg0, %c0_i32 : i32, i32
  }
  func.func @transform_4(%arg0: i32) -> (i32, i32) {
    %c0_i32 = arith.constant 0 : i32
    %c0_i32_0 = arith.constant 0 : i32
    return %arg0, %c0_i32 : i32, i32
  }
  func.func @transform_5(%arg0: i32) -> (i32, i32) {
    %c0_i32 = arith.constant 0 : i32
    %c0_i32_0 = arith.constant 0 : i32
    return %arg0, %c0_i32 : i32, i32
  }
  func.func @transform_6(%arg0: i32) -> (i32, i32) {
    %c0_i32 = arith.constant 0 : i32
    %c0_i32_0 = arith.constant 0 : i32
    return %arg0, %c0_i32 : i32, i32
  }
  func.func @transform_7(%arg0: i32) -> (i32, i32) {
    %c0_i32 = arith.constant 0 : i32
    %c0_i32_0 = arith.constant 0 : i32
    return %arg0, %c0_i32 : i32, i32
  }
  func.func @transform_8(%arg0: i32) -> (i32, i32, i32) {
    %c0_i32 = arith.constant 0 : i32
    %c0_i32_0 = arith.constant 0 : i32
    %c0_i32_1 = arith.constant 0 : i32
    return %arg0, %c0_i32, %c0_i32_0 : i32, i32, i32
  }
  func.func @transform_9(%arg0: i32) -> (i32, i32) {
    %c0_i32 = arith.constant 0 : i32
    %c0_i32_0 = arith.constant 0 : i32
    %c0_i32_1 = arith.constant 0 : i32
    return %c0_i32, %c0_i32_0 : i32, i32
  }
  func.func @transform_10(%arg0: i32) -> (i32, i32) {
    %c0_i32 = arith.constant 0 : i32
    %c0_i32_0 = arith.constant 0 : i32
    %c0_i32_1 = arith.constant 0 : i32
    return %c0_i32, %c0_i32_0 : i32, i32
  }
  func.func @transform_11(%arg0: i32) -> (i32, i32) {
    %c0_i32 = arith.constant 0 : i32
    %c0_i32_0 = arith.constant 0 : i32
    return %arg0, %c0_i32 : i32, i32
  }
  func.func @transform_12(%arg0: i32) -> (i32, i32) {
    %c0_i32 = arith.constant 0 : i32
    %c0_i32_0 = arith.constant 0 : i32
    return %arg0, %c0_i32 : i32, i32
  }
  func.func @transform_13(%arg0: i32) -> (i32, i32) {
    %c0_i32 = arith.constant 0 : i32
    %c0_i32_0 = arith.constant 0 : i32
    return %arg0, %c0_i32 : i32, i32
  }
  func.func @transform_14(%arg0: i32) -> (i32, i32) {
    %c0_i32 = arith.constant 0 : i32
    %c0_i32_0 = arith.constant 0 : i32
    return %arg0, %c0_i32 : i32, i32
  }
}

module attributes {stable_mosaic.version = 14 : i64} {
  func.func @_k5_body(%arg0: i32, %arg1: memref<400x16xf32, #tpu.memory_space<vmem>>, %arg2: memref<400x16xf32, #tpu.memory_space<vmem>>, %arg3: memref<400x16xf32, #tpu.memory_space<vmem>>, %arg4: memref<400x16xf32, #tpu.memory_space<vmem>>, %arg5: memref<400x16xf32, #tpu.memory_space<vmem>>, %arg6: memref<400x16xf32, #tpu.memory_space<vmem>>, %arg7: memref<400x16xf32, #tpu.memory_space<vmem>>, %arg8: memref<400x16xf32, #tpu.memory_space<vmem>>, %arg9: memref<1x1x400xf32, #tpu.memory_space<vmem>>, %arg10: memref<1x64xf32, #tpu.memory_space<vmem>>, %arg11: memref<1x1x400xi32, #tpu.memory_space<vmem>>, %arg12: memref<64x4xf32, #tpu.memory_space<vmem>>, %arg13: memref<1x4xf32, #tpu.memory_space<vmem>>, %arg14: memref<128x4xf32, #tpu.memory_space<vmem>>, %arg15: memref<128x64xf32, #tpu.memory_space<vmem>>) attributes {dimension_semantics = [#tpu.dimension_semantics<arbitrary>], iteration_bounds = array<i64: 125>, scalar_prefetch = 0 : i64, scratch_operands = 1 : i64, tpu.core_type = #tpu.core_type<tc>, window_params = [{transform_indices = @transform_0, window_bounds = array<i64: 400, 16>}, {transform_indices = @transform_1, window_bounds = array<i64: 400, 16>}, {transform_indices = @transform_2, window_bounds = array<i64: 400, 16>}, {transform_indices = @transform_3, window_bounds = array<i64: 400, 16>}, {transform_indices = @transform_4, window_bounds = array<i64: 400, 16>}, {transform_indices = @transform_5, window_bounds = array<i64: 400, 16>}, {transform_indices = @transform_6, window_bounds = array<i64: 400, 16>}, {transform_indices = @transform_7, window_bounds = array<i64: 400, 16>}, {transform_indices = @transform_8, window_bounds = array<i64: 1, 1, 400>}, {pipeline_mode = #tpu.pipeline_mode<synchronous>, transform_indices = @transform_9, window_bounds = array<i64: 1, 64>}, {transform_indices = @transform_10, window_bounds = array<i64: 1, 1, 400>}, {pipeline_mode = #tpu.pipeline_mode<synchronous>, transform_indices = @transform_11, window_bounds = array<i64: 64, 4>}, {pipeline_mode = #tpu.pipeline_mode<synchronous>, transform_indices = @transform_12, window_bounds = array<i64: 1, 4>}, {pipeline_mode = #tpu.pipeline_mode<synchronous>, transform_indices = @transform_13, window_bounds = array<i64: 128, 4>}]} {
    %get3A = arith.constant 0 : index
    %get3A_0 = arith.constant 0 : index
    %get3A_1 = arith.constant 0 : index
    %get3A_2 = vector.load %arg9[%get3A, %get3A_0, %get3A_1] : memref<1x1x400xf32, #tpu.memory_space<vmem>>, vector<1x1x400xf32>
    %get3A_3 = vector.shape_cast %get3A_2 : vector<1x1x400xf32> to vector<400xf32>
    %reshape3A = vector.shape_cast %get3A_3 : vector<400xf32> to vector<400x1xf32>
    %get3A_4 = arith.constant 0 : index
    %get3A_5 = arith.constant 0 : index
    %get3A_6 = vector.load %arg1[%get3A_4, %get3A_5] : memref<400x16xf32, #tpu.memory_space<vmem>>, vector<400x16xf32>
    %get3A_7 = arith.constant 0 : index
    %get3A_8 = arith.constant 0 : index
    %get3A_9 = vector.load %arg5[%get3A_7, %get3A_8] : memref<400x16xf32, #tpu.memory_space<vmem>>, vector<400x16xf32>
    %add3A = arith.addf %get3A_6, %get3A_9 : vector<400x16xf32>
    %get3A_10 = arith.constant 0 : index
    %get3A_11 = arith.constant 0 : index
    %get3A_12 = vector.load %arg2[%get3A_10, %get3A_11] : memref<400x16xf32, #tpu.memory_space<vmem>>, vector<400x16xf32>
    %get3A_13 = arith.constant 0 : index
    %get3A_14 = arith.constant 0 : index
    %get3A_15 = vector.load %arg6[%get3A_13, %get3A_14] : memref<400x16xf32, #tpu.memory_space<vmem>>, vector<400x16xf32>
    %add3A_16 = arith.addf %get3A_12, %get3A_15 : vector<400x16xf32>
    %get3A_17 = arith.constant 0 : index
    %get3A_18 = arith.constant 0 : index
    %get3A_19 = vector.load %arg3[%get3A_17, %get3A_18] : memref<400x16xf32, #tpu.memory_space<vmem>>, vector<400x16xf32>
    %get3A_20 = arith.constant 0 : index
    %get3A_21 = arith.constant 0 : index
    %get3A_22 = vector.load %arg7[%get3A_20, %get3A_21] : memref<400x16xf32, #tpu.memory_space<vmem>>, vector<400x16xf32>
    %add3A_23 = arith.addf %get3A_19, %get3A_22 : vector<400x16xf32>
    %get3A_24 = arith.constant 0 : index
    %get3A_25 = arith.constant 0 : index
    %get3A_26 = vector.load %arg4[%get3A_24, %get3A_25] : memref<400x16xf32, #tpu.memory_space<vmem>>, vector<400x16xf32>
    %get3A_27 = arith.constant 0 : index
    %get3A_28 = arith.constant 0 : index
    %get3A_29 = vector.load %arg8[%get3A_27, %get3A_28] : memref<400x16xf32, #tpu.memory_space<vmem>>, vector<400x16xf32>
    %add3A_30 = arith.addf %get3A_26, %get3A_29 : vector<400x16xf32>
    %concatenate3A = tpu.concatenate %add3A, %add3A_16, %add3A_23, %add3A_30 in 1 : vector<400x16xf32>, vector<400x16xf32>, vector<400x16xf32>, vector<400x16xf32> -> vector<400x64xf32>
    %mul3A = vector.broadcast %reshape3A : vector<400x1xf32> to vector<400x64xf32>
    %mul3A_31 = arith.mulf %concatenate3A, %mul3A : vector<400x64xf32>
    %get3A_32 = arith.constant 0 : index
    %get3A_33 = arith.constant 0 : index
    %get3A_34 = vector.load %arg10[%get3A_32, %get3A_33] : memref<1x64xf32, #tpu.memory_space<vmem>>, vector<1x64xf32>
    %add3A_35 = vector.broadcast %get3A_34 : vector<1x64xf32> to vector<400x64xf32>
    %add3A_36 = arith.addf %mul3A_31, %add3A_35 : vector<400x64xf32>
    %max3A = arith.constant 0.000000e+00 : f32
    %max3A_37 = vector.broadcast %max3A : f32 to vector<400x64xf32>
    %max3A_38 = arith.maximumf %add3A_36, %max3A_37 : vector<400x64xf32>
    %get3A_39 = arith.constant 0 : index
    %get3A_40 = arith.constant 0 : index
    %get3A_41 = arith.constant 0 : index
    %get3A_42 = vector.load %arg11[%get3A_39, %get3A_40, %get3A_41] : memref<1x1x400xi32, #tpu.memory_space<vmem>>, vector<1x1x400xi32>
    %get3A_43 = vector.shape_cast %get3A_42 : vector<1x1x400xi32> to vector<400xi32>
    %broadcast_in_dim3A = vector.shape_cast %get3A_43 : vector<400xi32> to vector<400x1xi32>
    %iota3A = tpu.iota {dimensions = array<i32: 1>} : vector<400x128xi32>
    %eq3A = vector.broadcast %broadcast_in_dim3A : vector<400x1xi32> to vector<400x128xi32>
    %eq3A_44 = arith.cmpi eq, %eq3A, %iota3A : vector<400x128xi32>
    %convert_element_type3A = arith.extui %eq3A_44 : vector<400x128xi1> to vector<400x128xi32>
    %convert_element_type3A_45 = arith.sitofp %convert_element_type3A : vector<400x128xi32> to vector<400x128xf32>
    %dot_general3A = arith.constant dense<0.000000e+00> : vector<128x64xf32>
    %dot_general3A_46 = tpu.matmul %convert_element_type3A_45, %max3A_38, %dot_general3A {dimension_numbers = #tpu.dot_dimension_numbers<[0], [0], [1], [1], [0, 1, 1, 1], [], []>, transpose_lhs_hint = false} : vector<400x128xf32>, vector<400x64xf32>, vector<128x64xf32> -> vector<128x64xf32>
    %eq3A_47 = arith.constant 0 : i32
    %eq3A_48 = arith.cmpi eq, %arg0, %eq3A_47 : i32
    %convert_element_type3A_49 = arith.extui %eq3A_48 : i1 to i32
    %cond3A = arith.constant 0 : i32
    %cond3A_50 = arith.cmpi ne, %convert_element_type3A_49, %cond3A : i32
    scf.if %cond3A_50 {
      %swap3A = arith.constant 0 : index
      %swap3A_60 = arith.constant 0 : index
      %swap3A_61 = vector.load %arg15[%swap3A, %swap3A_60] : memref<128x64xf32, #tpu.memory_space<vmem>>, vector<128x64xf32>
      tpu.vector_store %arg15[%swap3A, %swap3A_60], %dot_general3A_46 {strides = array<i32>} : memref<128x64xf32, #tpu.memory_space<vmem>>, vector<128x64xf32>,
    } else {
    }
    %gt3A = arith.constant 0 : i32
    %gt3A_51 = arith.cmpi sgt, %arg0, %gt3A : i32
    %convert_element_type3A_52 = arith.extui %gt3A_51 : i1 to i32
    %cond3A_53 = arith.constant 0 : i32
    %cond3A_54 = arith.cmpi ne, %convert_element_type3A_52, %cond3A_53 : i32
    scf.if %cond3A_54 {
      %get3A_60 = arith.constant 0 : index
      %get3A_61 = arith.constant 0 : index
      %get3A_62 = vector.load %arg15[%get3A_60, %get3A_61] : memref<128x64xf32, #tpu.memory_space<vmem>>, vector<128x64xf32>
      %add3A_63 = arith.addf %get3A_62, %dot_general3A_46 : vector<128x64xf32>
      %swap3A = arith.constant 0 : index
      %swap3A_64 = arith.constant 0 : index
      %swap3A_65 = vector.load %arg15[%swap3A, %swap3A_64] : memref<128x64xf32, #tpu.memory_space<vmem>>, vector<128x64xf32>
      tpu.vector_store %arg15[%swap3A, %swap3A_64], %add3A_63 {strides = array<i32>} : memref<128x64xf32, #tpu.memory_space<vmem>>, vector<128x64xf32>,
    } else {
    }
    %eq3A_55 = arith.constant 124 : i32
    %eq3A_56 = arith.cmpi eq, %arg0, %eq3A_55 : i32
    %convert_element_type3A_57 = arith.extui %eq3A_56 : i1 to i32
    %cond3A_58 = arith.constant 0 : i32
    %cond3A_59 = arith.cmpi ne, %convert_element_type3A_57, %cond3A_58 : i32
    scf.if %cond3A_59 {
      %get3A_60 = arith.constant 0 : index
      %get3A_61 = arith.constant 0 : index
      %get3A_62 = vector.load %arg15[%get3A_60, %get3A_61] : memref<128x64xf32, #tpu.memory_space<vmem>>, vector<128x64xf32>
      %get3A_63 = arith.constant 0 : index
      %get3A_64 = arith.constant 0 : index
      %get3A_65 = vector.load %arg12[%get3A_63, %get3A_64] : memref<64x4xf32, #tpu.memory_space<vmem>>, vector<64x4xf32>
      %dot_general3A_66 = arith.constant dense<0.000000e+00> : vector<128x4xf32>
      %dot_general3A_67 = tpu.matmul %get3A_62, %get3A_65, %dot_general3A_66 {dimension_numbers = #tpu.dot_dimension_numbers<[1], [0], [0], [1], [0, 0, 1, 1], [], []>, transpose_lhs_hint = false} : vector<128x64xf32>, vector<64x4xf32>, vector<128x4xf32> -> vector<128x4xf32>
      %get3A_68 = arith.constant 0 : index
      %get3A_69 = arith.constant 0 : index
      %get3A_70 = vector.load %arg13[%get3A_68, %get3A_69] : memref<1x4xf32, #tpu.memory_space<vmem>>, vector<1x4xf32>
      %add3A_71 = vector.broadcast %get3A_70 : vector<1x4xf32> to vector<128x4xf32>
      %add3A_72 = arith.addf %dot_general3A_67, %add3A_71 : vector<128x4xf32>
      %swap3A = arith.constant 0 : index
      %swap3A_73 = arith.constant 0 : index
      %swap3A_74 = vector.load %arg14[%swap3A, %swap3A_73] : memref<128x4xf32, #tpu.memory_space<vmem>>, vector<128x4xf32>
      tpu.vector_store %arg14[%swap3A, %swap3A_73], %add3A_72 {strides = array<i32>} : memref<128x4xf32, #tpu.memory_space<vmem>>, vector<128x4xf32>,
    } else {
    }
    return
  }
  func.func @transform_0(%arg0: i32) -> (i32, i32) {
    %c0_i32 = arith.constant 0 : i32
    %c0_i32_0 = arith.constant 0 : i32
    return %arg0, %c0_i32 : i32, i32
  }
  func.func @transform_1(%arg0: i32) -> (i32, i32) {
    %c0_i32 = arith.constant 0 : i32
    %c0_i32_0 = arith.constant 0 : i32
    return %arg0, %c0_i32 : i32, i32
  }
  func.func @transform_2(%arg0: i32) -> (i32, i32) {
    %c0_i32 = arith.constant 0 : i32
    %c0_i32_0 = arith.constant 0 : i32
    return %arg0, %c0_i32 : i32, i32
  }
  func.func @transform_3(%arg0: i32) -> (i32, i32) {
    %c0_i32 = arith.constant 0 : i32
    %c0_i32_0 = arith.constant 0 : i32
    return %arg0, %c0_i32 : i32, i32
  }
  func.func @transform_4(%arg0: i32) -> (i32, i32) {
    %c0_i32 = arith.constant 0 : i32
    %c0_i32_0 = arith.constant 0 : i32
    return %arg0, %c0_i32 : i32, i32
  }
  func.func @transform_5(%arg0: i32) -> (i32, i32) {
    %c0_i32 = arith.constant 0 : i32
    %c0_i32_0 = arith.constant 0 : i32
    return %arg0, %c0_i32 : i32, i32
  }
  func.func @transform_6(%arg0: i32) -> (i32, i32) {
    %c0_i32 = arith.constant 0 : i32
    %c0_i32_0 = arith.constant 0 : i32
    return %arg0, %c0_i32 : i32, i32
  }
  func.func @transform_7(%arg0: i32) -> (i32, i32) {
    %c0_i32 = arith.constant 0 : i32
    %c0_i32_0 = arith.constant 0 : i32
    return %arg0, %c0_i32 : i32, i32
  }
  func.func @transform_8(%arg0: i32) -> (i32, i32, i32) {
    %c0_i32 = arith.constant 0 : i32
    %c0_i32_0 = arith.constant 0 : i32
    %c0_i32_1 = arith.constant 0 : i32
    return %arg0, %c0_i32, %c0_i32_0 : i32, i32, i32
  }
  func.func @transform_9(%arg0: i32) -> (i32, i32) {
    %c0_i32 = arith.constant 0 : i32
    %c0_i32_0 = arith.constant 0 : i32
    %c0_i32_1 = arith.constant 0 : i32
    return %c0_i32, %c0_i32_0 : i32, i32
  }
  func.func @transform_10(%arg0: i32) -> (i32, i32, i32) {
    %c0_i32 = arith.constant 0 : i32
    %c0_i32_0 = arith.constant 0 : i32
    %c0_i32_1 = arith.constant 0 : i32
    return %arg0, %c0_i32, %c0_i32_0 : i32, i32, i32
  }
  func.func @transform_11(%arg0: i32) -> (i32, i32) {
    %c0_i32 = arith.constant 0 : i32
    %c0_i32_0 = arith.constant 0 : i32
    %c0_i32_1 = arith.constant 0 : i32
    return %c0_i32, %c0_i32_0 : i32, i32
  }
  func.func @transform_12(%arg0: i32) -> (i32, i32) {
    %c0_i32 = arith.constant 0 : i32
    %c0_i32_0 = arith.constant 0 : i32
    %c0_i32_1 = arith.constant 0 : i32
    return %c0_i32, %c0_i32_0 : i32, i32
  }
  func.func @transform_13(%arg0: i32) -> (i32, i32) {
    %c0_i32 = arith.constant 0 : i32
    %c0_i32_0 = arith.constant 0 : i32
    %c0_i32_1 = arith.constant 0 : i32
    return %c0_i32, %c0_i32_0 : i32, i32
  }
}

</mosaic_0001>

<sc_bundles>
// kernel: kernel.11.cloned.1.call-start
scs
__scs_entry_jumppad:
0x0: {  	(pc) =	sbr.rel $0x88, $3  }
0x1: {  	(tag) =	ssettag $0x0;
	lr =	simm.s32 $0x1  }
0x2: {  	[smem:$0x3F98] =	sst lr;
	_ =	strace $0xD0000000  }
0x3: {  	_ = 	snop  }
0x4: {  	_ = 	snop  }
0x5: {  	_ = 	snop  }
0x6: {  	_ = 	snop  }
0x7: {  	_ = 	snop  }
__scs_overlays_trampoline_lowered:
0x8: {  	[smem:$0x3FA7] =	sst s0  }
0x9: {  	[smem:$0x3FA8] =	sst s1  }
0xa: {  	[smem:$0x3FA9] =	sst s2  }
0xb: {  	[smem:$0x3FAA] =	sst s3  }
0xc: {  	[smem:$0x3FAB] =	sst s4  }
0xd: {  	[smem:$0x3FAC] =	sst s5  }
0xe: {  	[smem:$0x3FAD] =	sst s6  }
0xf: {  	[smem:$0x3FAE] =	sst s7  }
0x10: {  	[smem:$0x3FAF] =	sst s8  }
0x11: {  	[smem:$0x3FB0] =	sst s9;
	s0 =	simm.s32 @!p0 $0x0  }
0x12: {  	s1 =	sld [smem:$0x3F96];
	s0 =	simm.s32 @p0 $0x1  }
0x13: {  	[smem:$0x3FB1] =	sst s0;
	s0 =	simm.s32 @!p1 $0x0  }
0x14: {  	s2 =	sld [smem:$0x3F95];
	s0 =	simm.s32 @p1 $0x1  }
0x15: {  	[smem:$0x3FB2] =	sst s0;
	s0 =	simm.s32 @!p2 $0x0  }
0x16: {  	s3 =	sld [smem:$0x3FDB];
	s0 =	simm.s32 @p2 $0x1  }
0x17: {  	s4 =	simm.s32 $0x1BF5;
	[smem:$0x3FB4] =	sst s0  }
0x18: {  	s0 =	sld [smem:$0x3F97];
	_ =	swait.ge [sflag:s4], $0x0  }
0x19: {  	s7 =	sld [smem:$0x3F98]  }
0x1a: {  	s8 =	sadd.s32 $0xFFFFE003, lr  }
0x1b: {  	s9 =	sadd.s32 $0xFFFFFEF7, lr;
	s5 =	simm.s32 $0xFFFFFFFF;
	p2 =	slt.u32 s8, $0xFFFFF086  }
0x1c: {  	p1 =	slt.u32 s9, $0xF7A;
	s5 =	simm.s32 @!p2 $0x0  }
0x1d: {  	s5 =	simm.s32 @p1 $0x1;
	p0 =	seq.s32 s7, s2  }
0x1e: {  	s7 =	smul.u32 @!p0 $0xF7A, s2;
	p2 =	seq.s32 @!p0 s5, $0x0  }
0x1f: {  	s9 =	smul.u32 $0xF7A, s1;
	s8 =	simm.s32 @!p0 $0x1BF5;
	p2 =	por !p2, p0  }
0x20: {  	[sflag:s8] =	ssyncset.s32 @!p0 $0xFFFFF086;
	s6 =	sadd.s32 @!p0 s3, s7;
	s7 =	simm.s32 @!p0 $0x108  }
0x21: {  	s3 =	sadd.s32 s3, s9;
	s6 =	sadd.s32 @!p0 $0x88, s6;
	s7 =	simm.s32 @p2 $0x1082  }
0x22: {  	[simem:s7], [sflag:s8] =	dma.local @!p0 [hbm:s6], $0xF7A  }
0x23: {  	s9 =	sor.u32 $0xD0000000, s2;
	s6 =	simm.s32 $0x108;
	_ =	swait.ge @!p0 [sflag:s8], $0x0  }
0x24: {  	s3 =	sadd.s32 $0x88, s3;
	s6 =	simm.s32 @!p1 $0x1082;
	[sflag:s4] =	ssyncset.s32 $0xFFFFF086  }
0x25: {  	[simem:s6], [sflag:s4] =	dma.local [hbm:s3], $0xF7A  }
0x26: {  	[smem:$0x3F98] =	sst s1;
	(tag) =	ssettag s2;
	_ =	strace s9  }
0x27: {  	s1 =	sld [smem:$0x3FA8]  }
0x28: {  	s2 =	sld [smem:$0x3FA9]  }
0x29: {  	s4 =	sld [smem:$0x3FAB]  }
0x2a: {  	p0 =	seq.s32 s5, $0x0;
	s5 =	sld [smem:$0x3FAC]  }
0x2b: {  	s6 =	sld [smem:$0x3FAD]  }
0x2c: {  	s7 =	sld [smem:$0x3FAE]  }
0x2d: {  	s3 =	simm.s32 $0x108;
	s8 =	sld [smem:$0x3FAF]  }
0x2e: {  	s3 =	simm.s32 @!p0 $0x1082;
	s9 =	sld [smem:$0x3FB0]  }
0x2f: {  	lr =	sadd.s32 s0, s3;
	s0 =	sld [smem:$0x3FA7]  }
0x30: {  	s3 =	sld [smem:$0x3FAA]  }
0x31: {  	[smem:$0x3FB3] =	sst s10  }
0x32: {  	s10 =	sld [smem:$0x3FB1];
	_ =	sdelay $0x3  }
0x33: {  	p0 =	seq.s32 s10, $0x1;
	s10 =	sld [smem:$0x3FB3];
	_ =	sdelay $0x3  }
0x34: {  	[smem:$0x3FB3] =	sst s10  }
0x35: {  	s10 =	sld [smem:$0x3FB2];
	_ =	sdelay $0x3  }
0x36: {  	p1 =	seq.s32 s10, $0x1;
	s10 =	sld [smem:$0x3FB3];
	_ =	sdelay $0x3  }
0x37: {  	[smem:$0x3FB3] =	sst s10  }
0x38: {  	s10 =	sld [smem:$0x3FB4]  }
0x39: {  	_ = 	snop;
	(pc) =	sbr.ind lr, $3  }
0x3a: {  	_ = 	snop  }
0x3b: {  	_ = 	snop  }
0x3c: {  	p2 =	seq.s32 s10, $0x1;
	s10 =	sld [smem:$0x3FB3]  }
0x3d: {  	_ =	shalt  }
0x3e: {  	_ =	shalt  }
0x3f: {  	_ =	shalt  }
0x40: {  	_ =	shalt  }
0x41: {  	_ =	shalt  }
0x42: {  	_ =	shalt  }
0x43: {  	_ =	shalt  }
0x44: {  	_ =	shalt  }
0x45: {  	_ =	shalt  }
0x46: {  	_ =	shalt  }
0x47: {  	_ =	shalt  }
0x48: {  	_ =	shalt  }
0x49: {  	_ =	shalt  }
0x4a: {  	_ =	shalt  }
0x4b: {  	_ =	shalt  }
0x4c: {  	_ =	shalt  }
0x4d: {  	_ =	shalt  }
0x4e: {  	_ =	shalt  }
0x4f: {  	_ =	shalt  }
0x50: {  	_ =	shalt  }
0x51: {  	_ =	shalt  }
0x52: {  	_ =	shalt  }
0x53: {  	_ =	shalt  }
0x54: {  	_ =	shalt  }
0x55: {  	_ =	shalt  }
0x56: {  	_ =	shalt  }
0x57: {  	_ =	shalt  }
0x58: {  	_ =	shalt  }
0x59: {  	_ =	shalt  }
0x5a: {  	_ =	shalt  }
0x5b: {  	_ =	shalt  }
0x5c: {  	_ =	shalt  }
0x5d: {  	_ =	shalt  }
0x5e: {  	_ =	shalt  }
0x5f: {  	_ =	shalt  }
0x60: {  	_ =	shalt  }
0x61: {  	_ =	shalt  }
0x62: {  	_ =	shalt  }
0x63: {  	_ =	shalt  }
0x64: {  	_ =	shalt  }
0x65: {  	_ =	shalt  }
0x66: {  	_ =	shalt  }
0x67: {  	_ =	shalt  }
0x68: {  	_ =	shalt  }
0x69: {  	_ =	shalt  }
0x6a: {  	_ =	shalt  }
0x6b: {  	_ =	shalt  }
0x6c: {  	_ =	shalt  }
0x6d: {  	_ =	shalt  }
0x6e: {  	_ =	shalt  }
0x6f: {  	_ =	shalt  }
0x70: {  	_ =	shalt  }
0x71: {  	_ =	shalt  }
0x72: {  	_ =	shalt  }
0x73: {  	_ =	shalt  }
0x74: {  	_ =	shalt  }
0x75: {  	_ =	shalt  }
0x76: {  	_ =	shalt  }
0x77: {  	_ =	shalt  }
0x78: {  	_ =	shalt  }
0x79: {  	_ =	shalt  }
0x7a: {  	_ =	shalt  }
0x7b: {  	_ =	shalt  }
0x7c: {  	_ =	shalt  }
0x7d: {  	_ =	shalt  }
0x7e: {  	_ =	shalt  }
0x7f: {  	_ =	shalt  }
0x80: {  	_ =	shalt  }
0x81: {  	_ =	shalt  }
0x82: {  	_ =	shalt  }
0x83: {  	_ =	shalt  }
0x84: {  	_ =	shalt  }
0x85: {  	_ =	shalt  }
0x86: {  	_ =	shalt  }
0x87: {  	_ =	shalt  }
.Lfunc_end0:
.L_simem_size_0:
called_computation.1_lowered:
.L_overlay_start_0:
0x88: {  	s2 =	sld [smem:$0x3FD9]  }
0x89: {  	s3 =	sld [smem:$0x3FFE];
	_ =	sdelay $0x1  }
0x8a: {  	s1 =	srdreg.scid  }
0x8b: {  	s0 =	sand.u32 $0x1, s1  }
0x8c: {  	s16 =	sshll.u32 s0, $0xA;
	s2 =	sadd.s32 s3, s2  }
0x8d: {  	s2 =	sadd.s32 s2, s16  }
0x8e: {  	[smem:$0x3FBF] =	sst s2  }
0x8f: {  	_ = 	snop  }
0x90: {  	(tm) =	ssettm $0x1  }
0x91: {  	s17 =	sld [smem:$0x3FFB];
	_ =	sdelay $0x3  }
0x92: {  	_ =	strace s17  }
0x93: {  	s2 =	sld [smem:$0x3FFC];
	_ =	sdelay $0x3  }
0x94: {  	_ =	strace s2  }
0x95: {  	s2 =	sld [smem:$0x3FFD];
	_ =	sdelay $0x3  }
0x96: {  	_ =	strace s2  }
0x97: {  	_ =	strace $0x8FFFFFFF  }
0x98: {  	s18 =	sld [smem:$0x3FDB];
	_ =	sdelay $0x1  }
0x99: {  	s19 =	simm.s32 $_scs_section_size  }
0x9a: {  	s4 =	simm.s32 $_size__tile_overlayer_lowered;
	s5 =	simm.s32 $_tile_overlayer_lowered  }
0x9b: {  	s22 =	simm.s32 $0x1BFF;
	s21 =	sshll.u32 s5, $0x1;
	s2 =	sadd.s32 s19, s18  }
0x9c: {  	s6 =	simm.s32 $0x0;
	s20 =	sshll.u32 s4, $0x1;
	s4 =	sadd.s32 s21, s2  }
0x9d: {  	[timem:s6], [sflag:s22] =	dma.local [hbm:s4], s20  }
0x9e: {  	_ =	swait.ge [sflag:s22], s20  }
0x9f: {  	s3 =	ssub.s32 $0x0, s20;
	[sflag:s22] =	ssyncset.done $0x0  }
0xa0: {  	[sflag:s22] =	ssyncadd.s32 s3;
	_ =	sdelay $0x1  }
0xa1: {  	s23 =	simm.s32 $0x1B8B  }
0xa2: {  	_ =	swait.ge [sflag:s23], $0x1  }
0xa3: {  	[sflag:s23] =	ssyncset.done $0x0  }
0xa4: {  	s25 =	simm.s32 $0x1B8E;
	s24 =	sld [smem:$0x3FFE];
	[sflag:s23] =	ssyncadd.s32 $0xFFFFFFFF  }
0xa5: {  	s26 =	simm.s32 $execute0_lowered;
	[smem:$0x3FD2] =	sst s25  }
0xa6: {  	s4 =	sshll.u32 s26, $0x1;
	_ =	strace $0x80000049;
	[dreg:$0x1] =	wrdreg $0xFFFFFFFF  }
0xa7: {  	s28 =	simm.s32 $_size_execute0_lowered;
	s2 =	sadd.s32 s2, s4;
	[dreg:$0x0] =	wrdreg $0x0  }
0xa8: {  	s4 =	sshll.u32 s28, $0x1;
	[dreg:$0x2] =	wrdreg s2  }
0xa9: {  	[dreg:$0x3] =	wrdreg s4  }
0xaa: {  	[dreg:$0x4] =	wrdreg $0xC0  }
0xab: {  	_ =	task [dreg:s6], $0x5FFFF  }
0xac: {  	[dreg:$0x1] =	wrdreg $0xFFFFFFFF  }
0xad: {  	[dreg:$0x0] =	wrdreg $0x60  }
0xae: {  	[dreg:$0x2] =	wrdreg s24  }
0xaf: {  	[dreg:$0x3] =	wrdreg $0xC9200  }
0xb0: {  	[dreg:$0x4] =	wrdreg $0x9  }
0xb1: {  	_ =	task.clear_ibuf [dreg:s6], $0x5FFFF;
	_ =	strace $0x90000049  }
0xb2: {  	s29 =	simm.s32 $0x9;
	_ =	strace $0x8000004B  }
0xb3: {  	_ =	swait.ge [sflag:s29], $0x1  }
0xb4: {  	[sflag:s29] =	ssyncadd.s32 $0xFFFFFFFF  }
0xb5: {  	_ =	strace $0x9000004B  }
0xb6: {  	_ =	sfence  }
0xb7: {  	s30 =	sld [smem:$0x0];
	_ =	sdelay $0x2  }
0xb8: {  	s31 =	sshll.u32 s1, $0xD;
	s1 =	sshrl.u32 s1, $0x2  }
0xb9: {  	s3 =	sand.u32 $0x4000, s31;
	s1 =	sadd.s32 s1, s30  }
0xba: {  	s0 =	sor.u32 s3, s0;
	s1 =	sshll.u32 s1, $0x11  }
0xbb: {  	s0 =	sor.u32 s1, s0  }
0xbc: {  	s0 =	sadd.s32 $0x8F2B, s0  }
0xbd: {  	[sflag:s0] =	ssyncadd.remote.s32 $0x1  }
0xbe: {  	_ =	sfence.sel $0xFFFF  }
0xbf: {  	[dreg:$0x0] =	wrdreg $0xFFFFFFFF;
	(pc) =	sbr.abs _section_cstart, $3  }
0xc0: {  	[dreg:$0x1] =	wrdreg $0xFFFFFFFF  }
0xc1: {  	_ =	task.clear_ibuf [dreg:s6], $0x2FFFF;
	_ =	strace $0x9FFFFFFF  }
0xc2: {  	(tm) =	ssettm $0x7FFFFFFF  }
0xc3: {  	_ =	shalt  }
tec
execute0_lowered:
.L_overlay_start_1:
0x0: {  	(tag) =	ssettag $0x1  }
0x1: {  	s7 =	rddreg [dreg:$0x0]  }
0x2: {  	s2 =	rddreg [dreg:$0x1]  }
0x3: {  	s0 =	rddreg [dreg:$0x2]  }
0x4: {  	s3 =	simm.s32 $0x0;
	s1 =	stileid.u32;
	s16 =	simm.s32 $0x35D400  }
0x5: {  	s6 =	srdreg.scid;
	s5 =	smul.u32 $0x186A, s1;
	s9 =	sadd.s32 $0x375C00, s7  }
0x6: {  	s17 =	simm.s32 $0x0;
	s4 =	sadd.s32 $0x344C00, s7;
	s8 =	sadd.s32 $0x3A6C00, s7  }
0x7: {  	[smem:$0x7FF] =	sst s3;
	s10 =	sadd.s32 $0x3BF400, s7;
	s13 =	smul.u32 $0xC380, s1  }
0x8: {  	s6 =	sand.u32 $0x1, s6;
	s14 =	sadd.s32 $0x3D7C00, s7;
	s15 =	sadd.s32 $0x3F0400, s7  }
0x9: {  	_ =	strace $0x8000004A;
	s31 =	ssub.s32 $0x2, s6;
	p0 =	seq.s32 s6, $0x1  }
0xa: {  	p1 =	seq.s32 s6, $0x0;
	s11 =	sadd.s32 s5, s7;
	s12 =	sshrl.u32 s31, $0x1  }
0xb: {  	s5 =	sadd.s32 s13, s2;
	s13 =	sshrl.u32 s13, $0x3;
	s16 =	simm.s32 @!p0 $0x38E400  }
0xc: {  	s14 =	smov.u32 @p1 s8;
	s4 =	smov.u32 @p1 s9;
	s15 =	smov.u32 @p1 s10  }
0xd: {  	s12 =	ssub.s32 s31, s12;
	s7 =	sadd.s32 s16, s7;
	s8 =	sadd.s32 s14, s13  }
0xe: {  	s9 =	sadd.s32 s15, s13;
	s10 =	sadd.s32 $0x1EC00, s11;
	s11 =	sadd.s32 $0x6400, s11  }
0xf: {  	s13 =	simm.s32 $0x2;
	s14 =	simm.s32 $0x50;
	s15 =	simm.s32 $0xA0  }
0x10: {  	v0 =	vimm.f32 $0.0e+00;
	s16 =	simm.s32 $0x1;
	s6 =	smax.u32 s12, $0x1;
	s12 =	simm.s32 $0x5A0  }
.LBB2_1:
0x11: {  	s18 =	simm.s32 $0x40;
	s19 =	simm.s32 $0x0  }
.LBB2_2:
0x12: {  	p0 =	sne.s32 s18, $0x30DC0;
	[tilespmem:s19+$0x5A0] =	vst v0;
	s19 =	smov.u32 s18;
	s18 =	sadd.s32 $0x40, s18  }
.Ltmp0:
0x13: {  	(pc) =	sbr.rel @p0 .LBB2_2-.Ltmp0, $2  }
0x14: {  	_ =	sdelay $0x2  }
0x15: {  	s19 =	sshra.s32 s19, $0x2  }
0x16: {  	[tilespmem:s19+$0x5A0] =	vst v0  }
0x17: {  	[spmem:s5] =	stream.linear.scatter [tilespmem:s12], [sflag:$0x2], $0xC380, $0x38;
	[tilespmem:$0x18CA0] =	vst v63  }
0x18: {  	_ =	swait.ge [sflag:s13], $0xC380  }
0x19: {  	[sflag:s13] =	ssyncset.done $0x0  }
0x1a: {  	[sflag:s13] =	ssyncadd.s32 $0xFFFF3C80  }
0x1b: {  	s18 =	sadd.s32 $0x0, s11;
	[bflag:$0x0] =	sbarrier.arrive $0xFFFF  }
0x1c: {  	[tilespmem:s3], [sflag:$0x2] =	stream.linear.gather [hbm4b:s18+s3], $0x50, $0x38;
	[tilespmem:$0x18CA0] =	vst v63  }
0x1d: {  	_ =	swait.ge [sflag:s13], $0x50  }
0x1e: {  	[sflag:s13] =	ssyncset.done $0x0  }
0x1f: {  	s31 =	sadd.s32 $0x0, s10;
	[sflag:s13] =	ssyncadd.s32 $0xFFFFFFB0  }
0x20: {  	[tilespmem:s14], [sflag:$0x2] =	stream.linear.gather [hbm4b:s31+s3], $0x50, $0x38;
	[tilespmem:$0x18CA0] =	vst v63  }
0x21: {  	_ =	swait.ge [sflag:s13], $0x50  }
0x22: {  	[sflag:s13] =	ssyncset.done $0x0  }
0x23: {  	[sflag:s13] =	ssyncadd.s32 $0xFFFFFFB0  }
0x24: {  	[tilespmem:s15], [sflag:$0x1] =	stream.indirect.gather [hbm4b:s7+s14], $0x10, s3, s14, $0xb8;
	[tilespmem:$0x18CA0] =	vst v63  }
0x25: {  	_ =	swait.ge [sflag:s16], $0x500  }
0x26: {  	[sflag:s16] =	ssyncset.done $0x0  }
0x27: {  	[sflag:s16] =	ssyncadd.s32 $0xFFFFFB00  }
0x28: {  	[spmem:s2] =	stream.indirect.scatter.add.f32 [tilespmem:s15], [sflag:$0x2], $0x10, s14, s14, $0xb8;
	[tilespmem:$0x18CA0] =	vst v63  }
0x29: {  	_ =	swait.ge [sflag:s13], $0x500  }
0x2a: {  	s19 =	simm.s32 $0x14;
	s18 =	simm.s32 $0xA;
	[sflag:s13] =	ssyncset.done $0x0  }
.LBB2_4:
0x2b: {  	s20 =	sadd.s32 s18, s11  }
0x2c: {  	[sflag:s13] =	ssyncadd.s32 $0xFFFFFB00;
	s21 =	smov.u32 s19;
	s22 =	sadd.s32 $0xA, s19  }
0x2d: {  	[tilespmem:s3], [sflag:$0x2] =	stream.linear.gather [hbm4b:s20+s3], $0x50, $0x38;
	[tilespmem:$0x18CA0] =	vst v63  }
0x2e: {  	p0 =	sne.s32 s19, $0x1860;
	_ =	swait.ge [sflag:s13], $0x50  }
0x2f: {  	[sflag:s13] =	ssyncset.done $0x0  }
0x30: {  	s19 =	sadd.s32 s18, s10;
	s18 =	smov.u32 s21;
	[sflag:s13] =	ssyncadd.s32 $0xFFFFFFB0  }
0x31: {  	[tilespmem:s14], [sflag:$0x2] =	stream.linear.gather [hbm4b:s19+s3], $0x50, $0x38;
	[tilespmem:$0x18CA0] =	vst v63  }
0x32: {  	_ =	swait.ge [sflag:s13], $0x50  }
0x33: {  	[sflag:s13] =	ssyncset.done $0x0  }
0x34: {  	[sflag:s13] =	ssyncadd.s32 $0xFFFFFFB0  }
0x35: {  	[tilespmem:s15], [sflag:$0x1] =	stream.indirect.gather [hbm4b:s7+s14], $0x10, s3, s14, $0xb8;
	[tilespmem:$0x18CA0] =	vst v63  }
0x36: {  	_ =	swait.ge [sflag:s16], $0x500  }
.Ltmp1:
0x37: {  	[sflag:s16] =	ssyncset.done $0x0;
	(pc) =	sbr.rel @p0 .LBB2_4-.Ltmp1, $4  }
0x38: {  	[sflag:s16] =	ssyncadd.s32 $0xFFFFFB00  }
0x39: {  	[spmem:s2] =	stream.indirect.scatter.add.f32 [tilespmem:s15], [sflag:$0x2], $0x10, s14, s14, $0xb8;
	[tilespmem:$0x18CA0] =	vst v63  }
0x3a: {  	_ =	swait.ge [sflag:s13], $0x500  }
0x3b: {  	s19 =	smov.u32 s22;
	[sflag:s13] =	ssyncset.done $0x0  }
0x3c: {  	s19 =	sadd.s32 s18, s11;
	[sflag:s13] =	ssyncadd.s32 $0xFFFFFB00  }
0x3d: {  	[tilespmem:s3], [sflag:$0x2] =	stream.linear.gather [hbm4b:s19+s3], $0x50, $0x38;
	[tilespmem:$0x18CA0] =	vst v63  }
0x3e: {  	_ =	swait.ge [sflag:s13], $0x50  }
0x3f: {  	[sflag:s13] =	ssyncset.done $0x0  }
0x40: {  	s30 =	sadd.s32 s18, s10;
	[sflag:s13] =	ssyncadd.s32 $0xFFFFFFB0  }
0x41: {  	[tilespmem:s14], [sflag:$0x2] =	stream.linear.gather [hbm4b:s30+s3], $0x50, $0x38;
	[tilespmem:$0x18CA0] =	vst v63  }
0x42: {  	_ =	swait.ge [sflag:s13], $0x50  }
0x43: {  	[sflag:s13] =	ssyncset.done $0x0  }
0x44: {  	[sflag:s13] =	ssyncadd.s32 $0xFFFFFFB0  }
0x45: {  	[tilespmem:s15], [sflag:$0x1] =	stream.indirect.gather [hbm4b:s7+s14], $0x10, s3, s14, $0xb8;
	[tilespmem:$0x18CA0] =	vst v63  }
0x46: {  	_ =	swait.ge [sflag:s16], $0x500  }
0x47: {  	[sflag:s16] =	ssyncset.done $0x0  }
0x48: {  	[sflag:s16] =	ssyncadd.s32 $0xFFFFFB00  }
0x49: {  	[spmem:s2] =	stream.indirect.scatter.add.f32 [tilespmem:s15], [sflag:$0x2], $0x10, s14, s14, $0xb8;
	[tilespmem:$0x18CA0] =	vst v63  }
0x4a: {  	_ =	swait.ge [sflag:s13], $0x500  }
0x4b: {  	[sflag:s13] =	ssyncset.done $0x0  }
0x4c: {  	[sflag:s13] =	ssyncadd.s32 $0xFFFFFB00  }
0x4d: {  	[bflag:$0x0] =	sbarrier.arrive $0xFFFF  }
0x4e: {  	[tilespmem:s12], [sflag:$0x2] =	stream.linear.gather [spmem:s5], $0xC380, $0x38;
	[tilespmem:$0x18CA0] =	vst v63  }
0x4f: {  	_ =	swait.ge [sflag:s13], $0xC380  }
0x50: {  	[sflag:s13] =	ssyncset.done $0x0  }
0x51: {  	s31 =	simm.s32 $0x0;
	[sflag:s13] =	ssyncadd.s32 $0xFFFF3C80  }
0x52: {  	[hbm4b:s8+s31] =	stream.linear.scatter [tilespmem:s12], [sflag:$0x2], $0xC380, $0x38;
	[tilespmem:$0x18CA0] =	vst v63  }
0x53: {  	_ =	swait.ge [sflag:s13], $0xC380  }
0x54: {  	[sflag:s13] =	ssyncset.done $0x0  }
0x55: {  	s18 =	simm.s32 $0x40;
	s19 =	simm.s32 $0x0;
	[sflag:s13] =	ssyncadd.s32 $0xFFFF3C80  }
.LBB2_6:
0x56: {  	p0 =	sne.s32 s18, $0x30DC0;
	[tilespmem:s19+$0x5A0] =	vst v0;
	s19 =	smov.u32 s18;
	s18 =	sadd.s32 $0x40, s18  }
.Ltmp2:
0x57: {  	(pc) =	sbr.rel @p0 .LBB2_6-.Ltmp2, $2  }
0x58: {  	_ =	sdelay $0x2  }
0x59: {  	s19 =	sshra.s32 s19, $0x2  }
0x5a: {  	[tilespmem:s19+$0x5A0] =	vst v0  }
0x5b: {  	[spmem:s5] =	stream.linear.scatter [tilespmem:s12], [sflag:$0x2], $0xC380, $0x38;
	[tilespmem:$0x18CA0] =	vst v63  }
0x5c: {  	_ =	swait.ge [sflag:s13], $0xC380  }
0x5d: {  	[sflag:s13] =	ssyncset.done $0x0  }
0x5e: {  	[sflag:s13] =	ssyncadd.s32 $0xFFFF3C80  }
0x5f: {  	s18 =	sadd.s32 $0x0, s11;
	[bflag:$0x0] =	sbarrier.arrive $0xFFFF  }
0x60: {  	[tilespmem:s3], [sflag:$0x2] =	stream.linear.gather [hbm4b:s18+s3], $0x50, $0x38;
	[tilespmem:$0x18CA0] =	vst v63  }
0x61: {  	_ =	swait.ge [sflag:s13], $0x50  }
0x62: {  	[sflag:s13] =	ssyncset.done $0x0  }
0x63: {  	s31 =	sadd.s32 $0x0, s10;
	[sflag:s13] =	ssyncadd.s32 $0xFFFFFFB0  }
0x64: {  	[tilespmem:s14], [sflag:$0x2] =	stream.linear.gather [hbm4b:s31+s3], $0x50, $0x38;
	[tilespmem:$0x18CA0] =	vst v63  }
0x65: {  	_ =	swait.ge [sflag:s13], $0x50  }
0x66: {  	[sflag:s13] =	ssyncset.done $0x0  }
0x67: {  	[sflag:s13] =	ssyncadd.s32 $0xFFFFFFB0  }
0x68: {  	[tilespmem:s15], [sflag:$0x1] =	stream.indirect.gather [hbm4b:s4+s14], $0x10, s3, s14, $0xb8;
	[tilespmem:$0x18CA0] =	vst v63  }
0x69: {  	_ =	swait.ge [sflag:s16], $0x500  }
0x6a: {  	[sflag:s16] =	ssyncset.done $0x0  }
0x6b: {  	[sflag:s16] =	ssyncadd.s32 $0xFFFFFB00  }
0x6c: {  	[spmem:s2] =	stream.indirect.scatter.add.f32 [tilespmem:s15], [sflag:$0x2], $0x10, s14, s14, $0xb8;
	[tilespmem:$0x18CA0] =	vst v63  }
0x6d: {  	_ =	swait.ge [sflag:s13], $0x500  }
0x6e: {  	s19 =	simm.s32 $0x14;
	s18 =	simm.s32 $0xA;
	[sflag:s13] =	ssyncset.done $0x0  }
.LBB2_8:
0x6f: {  	s20 =	sadd.s32 s18, s11  }
0x70: {  	[sflag:s13] =	ssyncadd.s32 $0xFFFFFB00;
	s21 =	smov.u32 s19;
	s22 =	sadd.s32 $0xA, s19  }
0x71: {  	[tilespmem:s3], [sflag:$0x2] =	stream.linear.gather [hbm4b:s20+s3], $0x50, $0x38;
	[tilespmem:$0x18CA0] =	vst v63  }
0x72: {  	p0 =	sne.s32 s19, $0x1860;
	_ =	swait.ge [sflag:s13], $0x50  }
0x73: {  	[sflag:s13] =	ssyncset.done $0x0  }
0x74: {  	s19 =	sadd.s32 s18, s10;
	s18 =	smov.u32 s21;
	[sflag:s13] =	ssyncadd.s32 $0xFFFFFFB0  }
0x75: {  	[tilespmem:s14], [sflag:$0x2] =	stream.linear.gather [hbm4b:s19+s3], $0x50, $0x38;
	[tilespmem:$0x18CA0] =	vst v63  }
0x76: {  	_ =	swait.ge [sflag:s13], $0x50  }
0x77: {  	[sflag:s13] =	ssyncset.done $0x0  }
0x78: {  	[sflag:s13] =	ssyncadd.s32 $0xFFFFFFB0  }
0x79: {  	[tilespmem:s15], [sflag:$0x1] =	stream.indirect.gather [hbm4b:s4+s14], $0x10, s3, s14, $0xb8;
	[tilespmem:$0x18CA0] =	vst v63  }
0x7a: {  	_ =	swait.ge [sflag:s16], $0x500  }
.Ltmp3:
0x7b: {  	[sflag:s16] =	ssyncset.done $0x0;
	(pc) =	sbr.rel @p0 .LBB2_8-.Ltmp3, $4  }
0x7c: {  	[sflag:s16] =	ssyncadd.s32 $0xFFFFFB00  }
0x7d: {  	[spmem:s2] =	stream.indirect.scatter.add.f32 [tilespmem:s15], [sflag:$0x2], $0x10, s14, s14, $0xb8;
	[tilespmem:$0x18CA0] =	vst v63  }
0x7e: {  	_ =	swait.ge [sflag:s13], $0x500  }
0x7f: {  	s19 =	smov.u32 s22;
	[sflag:s13] =	ssyncset.done $0x0  }
0x80: {  	s19 =	sadd.s32 s18, s11;
	[sflag:s13] =	ssyncadd.s32 $0xFFFFFB00  }
0x81: {  	[tilespmem:s3], [sflag:$0x2] =	stream.linear.gather [hbm4b:s19+s3], $0x50, $0x38;
	[tilespmem:$0x18CA0] =	vst v63  }
0x82: {  	_ =	swait.ge [sflag:s13], $0x50  }
0x83: {  	[sflag:s13] =	ssyncset.done $0x0  }
0x84: {  	s31 =	sadd.s32 s18, s10;
	[sflag:s13] =	ssyncadd.s32 $0xFFFFFFB0  }
0x85: {  	[tilespmem:s14], [sflag:$0x2] =	stream.linear.gather [hbm4b:s31+s3], $0x50, $0x38;
	[tilespmem:$0x18CA0] =	vst v63  }
0x86: {  	_ =	swait.ge [sflag:s13], $0x50  }
0x87: {  	[sflag:s13] =	ssyncset.done $0x0  }
0x88: {  	[sflag:s13] =	ssyncadd.s32 $0xFFFFFFB0  }
0x89: {  	[tilespmem:s15], [sflag:$0x1] =	stream.indirect.gather [hbm4b:s4+s14], $0x10, s3, s14, $0xb8;
	[tilespmem:$0x18CA0] =	vst v63  }
0x8a: {  	_ =	swait.ge [sflag:s16], $0x500  }
0x8b: {  	[sflag:s16] =	ssyncset.done $0x0  }
0x8c: {  	[sflag:s16] =	ssyncadd.s32 $0xFFFFFB00  }
0x8d: {  	[spmem:s2] =	stream.indirect.scatter.add.f32 [tilespmem:s15], [sflag:$0x2], $0x10, s14, s14, $0xb8;
	[tilespmem:$0x18CA0] =	vst v63  }
0x8e: {  	_ =	swait.ge [sflag:s13], $0x500  }
0x8f: {  	[sflag:s13] =	ssyncset.done $0x0  }
0x90: {  	[sflag:s13] =	ssyncadd.s32 $0xFFFFFB00  }
0x91: {  	[bflag:$0x0] =	sbarrier.arrive $0xFFFF  }
0x92: {  	[tilespmem:s12], [sflag:$0x2] =	stream.linear.gather [spmem:s5], $0xC380, $0x38;
	[tilespmem:$0x18CA0] =	vst v63  }
0x93: {  	s17 =	sadd.s32 $0x1, s17;
	_ =	swait.ge [sflag:s13], $0xC380  }
0x94: {  	p0 =	sne.s32 s17, s6;
	[sflag:s13] =	ssyncset.done $0x0  }
.Ltmp4:
0x95: {  	[sflag:s13] =	ssyncadd.s32 $0xFFFF3C80;
	(pc) =	sbr.rel @p0 .LBB2_1-.Ltmp4, $4  }
0x96: {  	[hbm4b:s9+s3] =	stream.linear.scatter [tilespmem:s12], [sflag:$0x2], $0xC380, $0x38;
	[tilespmem:$0x18CA0] =	vst v63  }
0x97: {  	_ =	swait.ge [sflag:s13], $0xC380  }
0x98: {  	[sflag:s13] =	ssyncset.done $0x0  }
0x99: {  	[sflag:s13] =	ssyncadd.s32 $0xFFFF3C80  }
0x9a: {  	_ =	sfence.sel $0x180000  }
0x9b: {  	[bflag:$0x0] =	sbarrier.arrive $0xFFFF  }
0x9c: {  	p0 =	sne.s32 s1, $0x0;
	_ =	strace $0x9000004A  }
0x9d: {  	s0 =	sadd.s32 @!p0 $0x100000, s0;
	[bflag:$0x2] =	sbarrier.arrive $0xFFFF  }
0x9e: {  	[sflag:s0] =	ssyncadd.tile.s32 @!p0 $0x1;
	_ =	shalt  }
.Lfunc_end2:
_tile_overlayer_lowered:
.L_overlay_start_2:
0x9f: {  	(tag) =	ssettag $0x2  }
0xa0: {  	s0 =	rddreg [dreg:$0x0];
	s2 =	stileid.u32  }
0xa1: {  	s1 =	rddreg [dreg:$0x1];
	p0 =	sne.s32 s2, $0x0  }
0xa2: {  	s3 =	rddreg [dreg:$0x2];
	[bflag:$0x3] =	sbarrier.arrive $0xFFFF;
	s2 =	simm.s32 @!p0 $0x1C02  }
0xa3: {  	[timem:s3], [sflag:s2] =	dma.local @!p0 [hbm:s0], s1  }
0xa4: {  	s0 =	simm.s32 @!p0 $0x2  }
0xa5: {  	_ =	swait.ge @!p0 [sflag:s0], s1  }
0xa6: {  	s1 =	ssub.s32 @!p0 $0x0, s1;
	[sflag:s0] =	ssyncset.done @!p0 $0x0  }
0xa7: {  	[sflag:s0] =	ssyncadd.s32 @!p0 s1  }
0xa8: {  	[bflag:$0x3] =	sbarrier.arrive $0xFFFF  }
0xa9: {  	_ =	shalt  }

// kernel: kernel.14.cloned.1.call-start
scs
__scs_entry_jumppad:
0x0: {  	(pc) =	sbr.rel $0x88, $3  }
0x1: {  	(tag) =	ssettag $0x0;
	lr =	simm.s32 $0x1  }
0x2: {  	[smem:$0x3F98] =	sst lr;
	_ =	strace $0xD0000000  }
0x3: {  	_ = 	snop  }
0x4: {  	_ = 	snop  }
0x5: {  	_ = 	snop  }
0x6: {  	_ = 	snop  }
0x7: {  	_ = 	snop  }
__scs_overlays_trampoline_lowered:
0x8: {  	[smem:$0x3FA7] =	sst s0  }
0x9: {  	[smem:$0x3FA8] =	sst s1  }
0xa: {  	[smem:$0x3FA9] =	sst s2  }
0xb: {  	[smem:$0x3FAA] =	sst s3  }
0xc: {  	[smem:$0x3FAB] =	sst s4  }
0xd: {  	[smem:$0x3FAC] =	sst s5  }
0xe: {  	[smem:$0x3FAD] =	sst s6  }
0xf: {  	[smem:$0x3FAE] =	sst s7  }
0x10: {  	[smem:$0x3FAF] =	sst s8  }
0x11: {  	[smem:$0x3FB0] =	sst s9;
	s0 =	simm.s32 @!p0 $0x0  }
0x12: {  	s1 =	sld [smem:$0x3F96];
	s0 =	simm.s32 @p0 $0x1  }
0x13: {  	[smem:$0x3FB1] =	sst s0;
	s0 =	simm.s32 @!p1 $0x0  }
0x14: {  	s2 =	sld [smem:$0x3F95];
	s0 =	simm.s32 @p1 $0x1  }
0x15: {  	[smem:$0x3FB2] =	sst s0;
	s0 =	simm.s32 @!p2 $0x0  }
0x16: {  	s3 =	sld [smem:$0x3FDB];
	s0 =	simm.s32 @p2 $0x1  }
0x17: {  	s4 =	simm.s32 $0x1BF5;
	[smem:$0x3FB4] =	sst s0  }
0x18: {  	s0 =	sld [smem:$0x3F97];
	_ =	swait.ge [sflag:s4], $0x0  }
0x19: {  	s7 =	sld [smem:$0x3F98]  }
0x1a: {  	s8 =	sadd.s32 $0xFFFFE003, lr  }
0x1b: {  	s9 =	sadd.s32 $0xFFFFFEF7, lr;
	s5 =	simm.s32 $0xFFFFFFFF;
	p2 =	slt.u32 s8, $0xFFFFF086  }
0x1c: {  	p1 =	slt.u32 s9, $0xF7A;
	s5 =	simm.s32 @!p2 $0x0  }
0x1d: {  	s5 =	simm.s32 @p1 $0x1;
	p0 =	seq.s32 s7, s2  }
0x1e: {  	s7 =	smul.u32 @!p0 $0xF7A, s2;
	p2 =	seq.s32 @!p0 s5, $0x0  }
0x1f: {  	s9 =	smul.u32 $0xF7A, s1;
	s8 =	simm.s32 @!p0 $0x1BF5;
	p2 =	por !p2, p0  }
0x20: {  	[sflag:s8] =	ssyncset.s32 @!p0 $0xFFFFF086;
	s6 =	sadd.s32 @!p0 s3, s7;
	s7 =	simm.s32 @!p0 $0x108  }
0x21: {  	s3 =	sadd.s32 s3, s9;
	s6 =	sadd.s32 @!p0 $0x88, s6;
	s7 =	simm.s32 @p2 $0x1082  }
0x22: {  	[simem:s7], [sflag:s8] =	dma.local @!p0 [hbm:s6], $0xF7A  }
0x23: {  	s9 =	sor.u32 $0xD0000000, s2;
	s6 =	simm.s32 $0x108;
	_ =	swait.ge @!p0 [sflag:s8], $0x0  }
0x24: {  	s3 =	sadd.s32 $0x88, s3;
	s6 =	simm.s32 @!p1 $0x1082;
	[sflag:s4] =	ssyncset.s32 $0xFFFFF086  }
0x25: {  	[simem:s6], [sflag:s4] =	dma.local [hbm:s3], $0xF7A  }
0x26: {  	[smem:$0x3F98] =	sst s1;
	(tag) =	ssettag s2;
	_ =	strace s9  }
0x27: {  	s1 =	sld [smem:$0x3FA8]  }
0x28: {  	s2 =	sld [smem:$0x3FA9]  }
0x29: {  	s4 =	sld [smem:$0x3FAB]  }
0x2a: {  	p0 =	seq.s32 s5, $0x0;
	s5 =	sld [smem:$0x3FAC]  }
0x2b: {  	s6 =	sld [smem:$0x3FAD]  }
0x2c: {  	s7 =	sld [smem:$0x3FAE]  }
0x2d: {  	s3 =	simm.s32 $0x108;
	s8 =	sld [smem:$0x3FAF]  }
0x2e: {  	s3 =	simm.s32 @!p0 $0x1082;
	s9 =	sld [smem:$0x3FB0]  }
0x2f: {  	lr =	sadd.s32 s0, s3;
	s0 =	sld [smem:$0x3FA7]  }
0x30: {  	s3 =	sld [smem:$0x3FAA]  }
0x31: {  	[smem:$0x3FB3] =	sst s10  }
0x32: {  	s10 =	sld [smem:$0x3FB1];
	_ =	sdelay $0x3  }
0x33: {  	p0 =	seq.s32 s10, $0x1;
	s10 =	sld [smem:$0x3FB3];
	_ =	sdelay $0x3  }
0x34: {  	[smem:$0x3FB3] =	sst s10  }
0x35: {  	s10 =	sld [smem:$0x3FB2];
	_ =	sdelay $0x3  }
0x36: {  	p1 =	seq.s32 s10, $0x1;
	s10 =	sld [smem:$0x3FB3];
	_ =	sdelay $0x3  }
0x37: {  	[smem:$0x3FB3] =	sst s10  }
0x38: {  	s10 =	sld [smem:$0x3FB4]  }
0x39: {  	_ = 	snop;
	(pc) =	sbr.ind lr, $3  }
0x3a: {  	_ = 	snop  }
0x3b: {  	_ = 	snop  }
0x3c: {  	p2 =	seq.s32 s10, $0x1;
	s10 =	sld [smem:$0x3FB3]  }
0x3d: {  	_ =	shalt  }
0x3e: {  	_ =	shalt  }
0x3f: {  	_ =	shalt  }
0x40: {  	_ =	shalt  }
0x41: {  	_ =	shalt  }
0x42: {  	_ =	shalt  }
0x43: {  	_ =	shalt  }
0x44: {  	_ =	shalt  }
0x45: {  	_ =	shalt  }
0x46: {  	_ =	shalt  }
0x47: {  	_ =	shalt  }
0x48: {  	_ =	shalt  }
0x49: {  	_ =	shalt  }
0x4a: {  	_ =	shalt  }
0x4b: {  	_ =	shalt  }
0x4c: {  	_ =	shalt  }
0x4d: {  	_ =	shalt  }
0x4e: {  	_ =	shalt  }
0x4f: {  	_ =	shalt  }
0x50: {  	_ =	shalt  }
0x51: {  	_ =	shalt  }
0x52: {  	_ =	shalt  }
0x53: {  	_ =	shalt  }
0x54: {  	_ =	shalt  }
0x55: {  	_ =	shalt  }
0x56: {  	_ =	shalt  }
0x57: {  	_ =	shalt  }
0x58: {  	_ =	shalt  }
0x59: {  	_ =	shalt  }
0x5a: {  	_ =	shalt  }
0x5b: {  	_ =	shalt  }
0x5c: {  	_ =	shalt  }
0x5d: {  	_ =	shalt  }
0x5e: {  	_ =	shalt  }
0x5f: {  	_ =	shalt  }
0x60: {  	_ =	shalt  }
0x61: {  	_ =	shalt  }
0x62: {  	_ =	shalt  }
0x63: {  	_ =	shalt  }
0x64: {  	_ =	shalt  }
0x65: {  	_ =	shalt  }
0x66: {  	_ =	shalt  }
0x67: {  	_ =	shalt  }
0x68: {  	_ =	shalt  }
0x69: {  	_ =	shalt  }
0x6a: {  	_ =	shalt  }
0x6b: {  	_ =	shalt  }
0x6c: {  	_ =	shalt  }
0x6d: {  	_ =	shalt  }
0x6e: {  	_ =	shalt  }
0x6f: {  	_ =	shalt  }
0x70: {  	_ =	shalt  }
0x71: {  	_ =	shalt  }
0x72: {  	_ =	shalt  }
0x73: {  	_ =	shalt  }
0x74: {  	_ =	shalt  }
0x75: {  	_ =	shalt  }
0x76: {  	_ =	shalt  }
0x77: {  	_ =	shalt  }
0x78: {  	_ =	shalt  }
0x79: {  	_ =	shalt  }
0x7a: {  	_ =	shalt  }
0x7b: {  	_ =	shalt  }
0x7c: {  	_ =	shalt  }
0x7d: {  	_ =	shalt  }
0x7e: {  	_ =	shalt  }
0x7f: {  	_ =	shalt  }
0x80: {  	_ =	shalt  }
0x81: {  	_ =	shalt  }
0x82: {  	_ =	shalt  }
0x83: {  	_ =	shalt  }
0x84: {  	_ =	shalt  }
0x85: {  	_ =	shalt  }
0x86: {  	_ =	shalt  }
0x87: {  	_ =	shalt  }
.Lfunc_end0:
.L_simem_size_0:
called_computation.2_lowered:
.L_overlay_start_0:
0x88: {  	s2 =	sld [smem:$0x3FD9]  }
0x89: {  	s3 =	sld [smem:$0x3FFE];
	_ =	sdelay $0x1  }
0x8a: {  	s1 =	srdreg.scid  }
0x8b: {  	s0 =	sand.u32 $0x1, s1  }
0x8c: {  	s16 =	sshll.u32 s0, $0xA;
	s2 =	sadd.s32 s3, s2  }
0x8d: {  	s2 =	sadd.s32 s2, s16  }
0x8e: {  	[smem:$0x3FBF] =	sst s2  }
0x8f: {  	_ = 	snop  }
0x90: {  	(tm) =	ssettm $0x1  }
0x91: {  	s17 =	sld [smem:$0x3FFB];
	_ =	sdelay $0x3  }
0x92: {  	_ =	strace s17  }
0x93: {  	s2 =	sld [smem:$0x3FFC];
	_ =	sdelay $0x3  }
0x94: {  	_ =	strace s2  }
0x95: {  	s2 =	sld [smem:$0x3FFD];
	_ =	sdelay $0x3  }
0x96: {  	_ =	strace s2  }
0x97: {  	_ =	strace $0x8FFFFFFF  }
0x98: {  	s18 =	sld [smem:$0x3FDB];
	_ =	sdelay $0x1  }
0x99: {  	s19 =	simm.s32 $_scs_section_size  }
0x9a: {  	s4 =	simm.s32 $_size__tile_overlayer_lowered;
	s5 =	simm.s32 $_tile_overlayer_lowered  }
0x9b: {  	s22 =	simm.s32 $0x1BFF;
	s21 =	sshll.u32 s5, $0x1;
	s2 =	sadd.s32 s19, s18  }
0x9c: {  	s6 =	simm.s32 $0x0;
	s20 =	sshll.u32 s4, $0x1;
	s4 =	sadd.s32 s21, s2  }
0x9d: {  	[timem:s6], [sflag:s22] =	dma.local [hbm:s4], s20  }
0x9e: {  	_ =	swait.ge [sflag:s22], s20  }
0x9f: {  	s3 =	ssub.s32 $0x0, s20;
	[sflag:s22] =	ssyncset.done $0x0  }
0xa0: {  	[sflag:s22] =	ssyncadd.s32 s3;
	_ =	sdelay $0x1  }
0xa1: {  	s23 =	simm.s32 $0x1B8B  }
0xa2: {  	_ =	swait.ge [sflag:s23], $0x1  }
0xa3: {  	[sflag:s23] =	ssyncset.done $0x0  }
0xa4: {  	s25 =	simm.s32 $0x1B8E;
	s24 =	sld [smem:$0x3FFE];
	[sflag:s23] =	ssyncadd.s32 $0xFFFFFFFF  }
0xa5: {  	s26 =	simm.s32 $execute0_lowered;
	[smem:$0x3FD2] =	sst s25  }
0xa6: {  	s4 =	sshll.u32 s26, $0x1;
	_ =	strace $0x8000004C;
	[dreg:$0x1] =	wrdreg $0xFFFFFFFF  }
0xa7: {  	s28 =	simm.s32 $_size_execute0_lowered;
	s2 =	sadd.s32 s2, s4;
	[dreg:$0x0] =	wrdreg $0x0  }
0xa8: {  	s4 =	sshll.u32 s28, $0x1;
	[dreg:$0x2] =	wrdreg s2  }
0xa9: {  	[dreg:$0x3] =	wrdreg s4  }
0xaa: {  	[dreg:$0x4] =	wrdreg $0xC0  }
0xab: {  	_ =	task [dreg:s6], $0x5FFFF  }
0xac: {  	[dreg:$0x1] =	wrdreg $0xFFFFFFFF  }
0xad: {  	[dreg:$0x0] =	wrdreg $0x60  }
0xae: {  	[dreg:$0x2] =	wrdreg s24  }
0xaf: {  	[dreg:$0x3] =	wrdreg $0xC9200  }
0xb0: {  	[dreg:$0x4] =	wrdreg $0x9  }
0xb1: {  	_ =	task.clear_ibuf [dreg:s6], $0x5FFFF;
	_ =	strace $0x9000004C  }
0xb2: {  	s29 =	simm.s32 $0x9;
	_ =	strace $0x8000004E  }
0xb3: {  	_ =	swait.ge [sflag:s29], $0x1  }
0xb4: {  	[sflag:s29] =	ssyncadd.s32 $0xFFFFFFFF  }
0xb5: {  	_ =	strace $0x9000004E  }
0xb6: {  	_ =	sfence  }
0xb7: {  	s30 =	sld [smem:$0x0];
	_ =	sdelay $0x2  }
0xb8: {  	s31 =	sshll.u32 s1, $0xD;
	s1 =	sshrl.u32 s1, $0x2  }
0xb9: {  	s3 =	sand.u32 $0x4000, s31;
	s1 =	sadd.s32 s1, s30  }
0xba: {  	s0 =	sor.u32 s3, s0;
	s1 =	sshll.u32 s1, $0x11  }
0xbb: {  	s0 =	sor.u32 s1, s0  }
0xbc: {  	s0 =	sadd.s32 $0x8F2B, s0  }
0xbd: {  	[sflag:s0] =	ssyncadd.remote.s32 $0x1  }
0xbe: {  	_ =	sfence.sel $0xFFFF  }
0xbf: {  	[dreg:$0x0] =	wrdreg $0xFFFFFFFF;
	(pc) =	sbr.abs _section_cstart, $3  }
0xc0: {  	[dreg:$0x1] =	wrdreg $0xFFFFFFFF  }
0xc1: {  	_ =	task.clear_ibuf [dreg:s6], $0x2FFFF;
	_ =	strace $0x9FFFFFFF  }
0xc2: {  	(tm) =	ssettm $0x7FFFFFFF  }
0xc3: {  	_ =	shalt  }
tec
execute0_lowered:
.L_overlay_start_1:
0x0: {  	(tag) =	ssettag $0x1  }
0x1: {  	s7 =	rddreg [dreg:$0x0]  }
0x2: {  	s2 =	rddreg [dreg:$0x1]  }
0x3: {  	s0 =	rddreg [dreg:$0x2]  }
0x4: {  	s3 =	simm.s32 $0x0;
	s1 =	stileid.u32;
	s6 =	srdreg.scid  }
0x5: {  	s16 =	simm.s32 $0x4FC00;
	s17 =	simm.s32 $0x0;
	[smem:$0x7FF] =	sst s3  }
0x6: {  	s5 =	smul.u32 $0x186A, s1;
	s9 =	sadd.s32 $0x68400, s7;
	s4 =	sadd.s32 $0x37400, s7  }
0x7: {  	s6 =	sand.u32 $0x1, s6;
	s8 =	sadd.s32 $0x99400, s7;
	s10 =	sadd.s32 $0xB1C00, s7  }
0x8: {  	s13 =	smul.u32 $0xC380, s1;
	s14 =	sadd.s32 $0xCA400, s7;
	s15 =	sadd.s32 $0xE2C00, s7  }
0x9: {  	_ =	strace $0x8000004D;
	s31 =	ssub.s32 $0x2, s6;
	p0 =	seq.s32 s6, $0x1  }
0xa: {  	p1 =	seq.s32 s6, $0x0;
	s11 =	sadd.s32 s5, s7;
	s12 =	sshrl.u32 s31, $0x1  }
0xb: {  	s5 =	sadd.s32 s13, s2;
	s13 =	sshrl.u32 s13, $0x3;
	s16 =	simm.s32 @!p0 $0x80C00  }
0xc: {  	s14 =	smov.u32 @p1 s8;
	s4 =	smov.u32 @p1 s9;
	s15 =	smov.u32 @p1 s10  }
0xd: {  	s12 =	ssub.s32 s31, s12;
	s7 =	sadd.s32 s16, s7;
	s8 =	sadd.s32 s14, s13  }
0xe: {  	s9 =	sadd.s32 s15, s13;
	s10 =	sadd.s32 $0x1EC00, s11;
	s11 =	sadd.s32 $0x6400, s11  }
0xf: {  	s13 =	simm.s32 $0x2;
	s14 =	simm.s32 $0x50;
	s15 =	simm.s32 $0xA0  }
0x10: {  	v0 =	vimm.f32 $0.0e+00;
	s16 =	simm.s32 $0x1;
	s6 =	smax.u32 s12, $0x1;
	s12 =	simm.s32 $0x5A0  }
.LBB2_1:
0x11: {  	s18 =	simm.s32 $0x40;
	s19 =	simm.s32 $0x0  }
.LBB2_2:
0x12: {  	p0 =	sne.s32 s18, $0x30DC0;
	[tilespmem:s19+$0x5A0] =	vst v0;
	s19 =	smov.u32 s18;
	s18 =	sadd.s32 $0x40, s18  }
.Ltmp0:
0x13: {  	(pc) =	sbr.rel @p0 .LBB2_2-.Ltmp0, $2  }
0x14: {  	_ =	sdelay $0x2  }
0x15: {  	s19 =	sshra.s32 s19, $0x2  }
0x16: {  	[tilespmem:s19+$0x5A0] =	vst v0  }
0x17: {  	[spmem:s5] =	stream.linear.scatter [tilespmem:s12], [sflag:$0x2], $0xC380, $0x38;
	[tilespmem:$0x18CA0] =	vst v63  }
0x18: {  	_ =	swait.ge [sflag:s13], $0xC380  }
0x19: {  	[sflag:s13] =	ssyncset.done $0x0  }
0x1a: {  	[sflag:s13] =	ssyncadd.s32 $0xFFFF3C80  }
0x1b: {  	s18 =	sadd.s32 $0x0, s11;
	[bflag:$0x0] =	sbarrier.arrive $0xFFFF  }
0x1c: {  	[tilespmem:s3], [sflag:$0x2] =	stream.linear.gather [hbm4b:s18+s3], $0x50, $0x38;
	[tilespmem:$0x18CA0] =	vst v63  }
0x1d: {  	_ =	swait.ge [sflag:s13], $0x50  }
0x1e: {  	[sflag:s13] =	ssyncset.done $0x0  }
0x1f: {  	s31 =	sadd.s32 $0x0, s10;
	[sflag:s13] =	ssyncadd.s32 $0xFFFFFFB0  }
0x20: {  	[tilespmem:s14], [sflag:$0x2] =	stream.linear.gather [hbm4b:s31+s3], $0x50, $0x38;
	[tilespmem:$0x18CA0] =	vst v63  }
0x21: {  	_ =	swait.ge [sflag:s13], $0x50  }
0x22: {  	[sflag:s13] =	ssyncset.done $0x0  }
0x23: {  	[sflag:s13] =	ssyncadd.s32 $0xFFFFFFB0  }
0x24: {  	[tilespmem:s15], [sflag:$0x1] =	stream.indirect.gather [hbm4b:s7+s14], $0x10, s3, s14, $0xb8;
	[tilespmem:$0x18CA0] =	vst v63  }
0x25: {  	_ =	swait.ge [sflag:s16], $0x500  }
0x26: {  	[sflag:s16] =	ssyncset.done $0x0  }
0x27: {  	[sflag:s16] =	ssyncadd.s32 $0xFFFFFB00  }
0x28: {  	[spmem:s2] =	stream.indirect.scatter.add.f32 [tilespmem:s15], [sflag:$0x2], $0x10, s14, s14, $0xb8;
	[tilespmem:$0x18CA0] =	vst v63  }
0x29: {  	_ =	swait.ge [sflag:s13], $0x500  }
0x2a: {  	s19 =	simm.s32 $0x14;
	s18 =	simm.s32 $0xA;
	[sflag:s13] =	ssyncset.done $0x0  }
.LBB2_4:
0x2b: {  	s20 =	sadd.s32 s18, s11  }
0x2c: {  	[sflag:s13] =	ssyncadd.s32 $0xFFFFFB00;
	s21 =	smov.u32 s19;
	s22 =	sadd.s32 $0xA, s19  }
0x2d: {  	[tilespmem:s3], [sflag:$0x2] =	stream.linear.gather [hbm4b:s20+s3], $0x50, $0x38;
	[tilespmem:$0x18CA0] =	vst v63  }
0x2e: {  	p0 =	sne.s32 s19, $0x1860;
	_ =	swait.ge [sflag:s13], $0x50  }
0x2f: {  	[sflag:s13] =	ssyncset.done $0x0  }
0x30: {  	s19 =	sadd.s32 s18, s10;
	s18 =	smov.u32 s21;
	[sflag:s13] =	ssyncadd.s32 $0xFFFFFFB0  }
0x31: {  	[tilespmem:s14], [sflag:$0x2] =	stream.linear.gather [hbm4b:s19+s3], $0x50, $0x38;
	[tilespmem:$0x18CA0] =	vst v63  }
0x32: {  	_ =	swait.ge [sflag:s13], $0x50  }
0x33: {  	[sflag:s13] =	ssyncset.done $0x0  }
0x34: {  	[sflag:s13] =	ssyncadd.s32 $0xFFFFFFB0  }
0x35: {  	[tilespmem:s15], [sflag:$0x1] =	stream.indirect.gather [hbm4b:s7+s14], $0x10, s3, s14, $0xb8;
	[tilespmem:$0x18CA0] =	vst v63  }
0x36: {  	_ =	swait.ge [sflag:s16], $0x500  }
.Ltmp1:
0x37: {  	[sflag:s16] =	ssyncset.done $0x0;
	(pc) =	sbr.rel @p0 .LBB2_4-.Ltmp1, $4  }
0x38: {  	[sflag:s16] =	ssyncadd.s32 $0xFFFFFB00  }
0x39: {  	[spmem:s2] =	stream.indirect.scatter.add.f32 [tilespmem:s15], [sflag:$0x2], $0x10, s14, s14, $0xb8;
	[tilespmem:$0x18CA0] =	vst v63  }
0x3a: {  	_ =	swait.ge [sflag:s13], $0x500  }
0x3b: {  	s19 =	smov.u32 s22;
	[sflag:s13] =	ssyncset.done $0x0  }
0x3c: {  	s19 =	sadd.s32 s18, s11;
	[sflag:s13] =	ssyncadd.s32 $0xFFFFFB00  }
0x3d: {  	[tilespmem:s3], [sflag:$0x2] =	stream.linear.gather [hbm4b:s19+s3], $0x50, $0x38;
	[tilespmem:$0x18CA0] =	vst v63  }
0x3e: {  	_ =	swait.ge [sflag:s13], $0x50  }
0x3f: {  	[sflag:s13] =	ssyncset.done $0x0  }
0x40: {  	s30 =	sadd.s32 s18, s10;
	[sflag:s13] =	ssyncadd.s32 $0xFFFFFFB0  }
0x41: {  	[tilespmem:s14], [sflag:$0x2] =	stream.linear.gather [hbm4b:s30+s3], $0x50, $0x38;
	[tilespmem:$0x18CA0] =	vst v63  }
0x42: {  	_ =	swait.ge [sflag:s13], $0x50  }
0x43: {  	[sflag:s13] =	ssyncset.done $0x0  }
0x44: {  	[sflag:s13] =	ssyncadd.s32 $0xFFFFFFB0  }
0x45: {  	[tilespmem:s15], [sflag:$0x1] =	stream.indirect.gather [hbm4b:s7+s14], $0x10, s3, s14, $0xb8;
	[tilespmem:$0x18CA0] =	vst v63  }
0x46: {  	_ =	swait.ge [sflag:s16], $0x500  }
0x47: {  	[sflag:s16] =	ssyncset.done $0x0  }
0x48: {  	[sflag:s16] =	ssyncadd.s32 $0xFFFFFB00  }
0x49: {  	[spmem:s2] =	stream.indirect.scatter.add.f32 [tilespmem:s15], [sflag:$0x2], $0x10, s14, s14, $0xb8;
	[tilespmem:$0x18CA0] =	vst v63  }
0x4a: {  	_ =	swait.ge [sflag:s13], $0x500  }
0x4b: {  	[sflag:s13] =	ssyncset.done $0x0  }
0x4c: {  	[sflag:s13] =	ssyncadd.s32 $0xFFFFFB00  }
0x4d: {  	[bflag:$0x0] =	sbarrier.arrive $0xFFFF  }
0x4e: {  	[tilespmem:s12], [sflag:$0x2] =	stream.linear.gather [spmem:s5], $0xC380, $0x38;
	[tilespmem:$0x18CA0] =	vst v63  }
0x4f: {  	_ =	swait.ge [sflag:s13], $0xC380  }
0x50: {  	[sflag:s13] =	ssyncset.done $0x0  }
0x51: {  	s31 =	simm.s32 $0x0;
	[sflag:s13] =	ssyncadd.s32 $0xFFFF3C80  }
0x52: {  	[hbm4b:s8+s31] =	stream.linear.scatter [tilespmem:s12], [sflag:$0x2], $0xC380, $0x38;
	[tilespmem:$0x18CA0] =	vst v63  }
0x53: {  	_ =	swait.ge [sflag:s13], $0xC380  }
0x54: {  	[sflag:s13] =	ssyncset.done $0x0  }
0x55: {  	s18 =	simm.s32 $0x40;
	s19 =	simm.s32 $0x0;
	[sflag:s13] =	ssyncadd.s32 $0xFFFF3C80  }
.LBB2_6:
0x56: {  	p0 =	sne.s32 s18, $0x30DC0;
	[tilespmem:s19+$0x5A0] =	vst v0;
	s19 =	smov.u32 s18;
	s18 =	sadd.s32 $0x40, s18  }
.Ltmp2:
0x57: {  	(pc) =	sbr.rel @p0 .LBB2_6-.Ltmp2, $2  }
0x58: {  	_ =	sdelay $0x2  }
0x59: {  	s19 =	sshra.s32 s19, $0x2  }
0x5a: {  	[tilespmem:s19+$0x5A0] =	vst v0  }
0x5b: {  	[spmem:s5] =	stream.linear.scatter [tilespmem:s12], [sflag:$0x2], $0xC380, $0x38;
	[tilespmem:$0x18CA0] =	vst v63  }
0x5c: {  	_ =	swait.ge [sflag:s13], $0xC380  }
0x5d: {  	[sflag:s13] =	ssyncset.done $0x0  }
0x5e: {  	[sflag:s13] =	ssyncadd.s32 $0xFFFF3C80  }
0x5f: {  	s18 =	sadd.s32 $0x0, s11;
	[bflag:$0x0] =	sbarrier.arrive $0xFFFF  }
0x60: {  	[tilespmem:s3], [sflag:$0x2] =	stream.linear.gather [hbm4b:s18+s3], $0x50, $0x38;
	[tilespmem:$0x18CA0] =	vst v63  }
0x61: {  	_ =	swait.ge [sflag:s13], $0x50  }
0x62: {  	[sflag:s13] =	ssyncset.done $0x0  }
0x63: {  	s31 =	sadd.s32 $0x0, s10;
	[sflag:s13] =	ssyncadd.s32 $0xFFFFFFB0  }
0x64: {  	[tilespmem:s14], [sflag:$0x2] =	stream.linear.gather [hbm4b:s31+s3], $0x50, $0x38;
	[tilespmem:$0x18CA0] =	vst v63  }
0x65: {  	_ =	swait.ge [sflag:s13], $0x50  }
0x66: {  	[sflag:s13] =	ssyncset.done $0x0  }
0x67: {  	[sflag:s13] =	ssyncadd.s32 $0xFFFFFFB0  }
0x68: {  	[tilespmem:s15], [sflag:$0x1] =	stream.indirect.gather [hbm4b:s4+s14], $0x10, s3, s14, $0xb8;
	[tilespmem:$0x18CA0] =	vst v63  }
0x69: {  	_ =	swait.ge [sflag:s16], $0x500  }
0x6a: {  	[sflag:s16] =	ssyncset.done $0x0  }
0x6b: {  	[sflag:s16] =	ssyncadd.s32 $0xFFFFFB00  }
0x6c: {  	[spmem:s2] =	stream.indirect.scatter.add.f32 [tilespmem:s15], [sflag:$0x2], $0x10, s14, s14, $0xb8;
	[tilespmem:$0x18CA0] =	vst v63  }
0x6d: {  	_ =	swait.ge [sflag:s13], $0x500  }
0x6e: {  	s19 =	simm.s32 $0x14;
	s18 =	simm.s32 $0xA;
	[sflag:s13] =	ssyncset.done $0x0  }
.LBB2_8:
0x6f: {  	s20 =	sadd.s32 s18, s11  }
0x70: {  	[sflag:s13] =	ssyncadd.s32 $0xFFFFFB00;
	s21 =	smov.u32 s19;
	s22 =	sadd.s32 $0xA, s19  }
0x71: {  	[tilespmem:s3], [sflag:$0x2] =	stream.linear.gather [hbm4b:s20+s3], $0x50, $0x38;
	[tilespmem:$0x18CA0] =	vst v63  }
0x72: {  	p0 =	sne.s32 s19, $0x1860;
	_ =	swait.ge [sflag:s13], $0x50  }
0x73: {  	[sflag:s13] =	ssyncset.done $0x0  }
0x74: {  	s19 =	sadd.s32 s18, s10;
	s18 =	smov.u32 s21;
	[sflag:s13] =	ssyncadd.s32 $0xFFFFFFB0  }
0x75: {  	[tilespmem:s14], [sflag:$0x2] =	stream.linear.gather [hbm4b:s19+s3], $0x50, $0x38;
	[tilespmem:$0x18CA0] =	vst v63  }
0x76: {  	_ =	swait.ge [sflag:s13], $0x50  }
0x77: {  	[sflag:s13] =	ssyncset.done $0x0  }
0x78: {  	[sflag:s13] =	ssyncadd.s32 $0xFFFFFFB0  }
0x79: {  	[tilespmem:s15], [sflag:$0x1] =	stream.indirect.gather [hbm4b:s4+s14], $0x10, s3, s14, $0xb8;
	[tilespmem:$0x18CA0] =	vst v63  }
0x7a: {  	_ =	swait.ge [sflag:s16], $0x500  }
.Ltmp3:
0x7b: {  	[sflag:s16] =	ssyncset.done $0x0;
	(pc) =	sbr.rel @p0 .LBB2_8-.Ltmp3, $4  }
0x7c: {  	[sflag:s16] =	ssyncadd.s32 $0xFFFFFB00  }
0x7d: {  	[spmem:s2] =	stream.indirect.scatter.add.f32 [tilespmem:s15], [sflag:$0x2], $0x10, s14, s14, $0xb8;
	[tilespmem:$0x18CA0] =	vst v63  }
0x7e: {  	_ =	swait.ge [sflag:s13], $0x500  }
0x7f: {  	s19 =	smov.u32 s22;
	[sflag:s13] =	ssyncset.done $0x0  }
0x80: {  	s19 =	sadd.s32 s18, s11;
	[sflag:s13] =	ssyncadd.s32 $0xFFFFFB00  }
0x81: {  	[tilespmem:s3], [sflag:$0x2] =	stream.linear.gather [hbm4b:s19+s3], $0x50, $0x38;
	[tilespmem:$0x18CA0] =	vst v63  }
0x82: {  	_ =	swait.ge [sflag:s13], $0x50  }
0x83: {  	[sflag:s13] =	ssyncset.done $0x0  }
0x84: {  	s31 =	sadd.s32 s18, s10;
	[sflag:s13] =	ssyncadd.s32 $0xFFFFFFB0  }
0x85: {  	[tilespmem:s14], [sflag:$0x2] =	stream.linear.gather [hbm4b:s31+s3], $0x50, $0x38;
	[tilespmem:$0x18CA0] =	vst v63  }
0x86: {  	_ =	swait.ge [sflag:s13], $0x50  }
0x87: {  	[sflag:s13] =	ssyncset.done $0x0  }
0x88: {  	[sflag:s13] =	ssyncadd.s32 $0xFFFFFFB0  }
0x89: {  	[tilespmem:s15], [sflag:$0x1] =	stream.indirect.gather [hbm4b:s4+s14], $0x10, s3, s14, $0xb8;
	[tilespmem:$0x18CA0] =	vst v63  }
0x8a: {  	_ =	swait.ge [sflag:s16], $0x500  }
0x8b: {  	[sflag:s16] =	ssyncset.done $0x0  }
0x8c: {  	[sflag:s16] =	ssyncadd.s32 $0xFFFFFB00  }
0x8d: {  	[spmem:s2] =	stream.indirect.scatter.add.f32 [tilespmem:s15], [sflag:$0x2], $0x10, s14, s14, $0xb8;
	[tilespmem:$0x18CA0] =	vst v63  }
0x8e: {  	_ =	swait.ge [sflag:s13], $0x500  }
0x8f: {  	[sflag:s13] =	ssyncset.done $0x0  }
0x90: {  	[sflag:s13] =	ssyncadd.s32 $0xFFFFFB00  }
0x91: {  	[bflag:$0x0] =	sbarrier.arrive $0xFFFF  }
0x92: {  	[tilespmem:s12], [sflag:$0x2] =	stream.linear.gather [spmem:s5], $0xC380, $0x38;
	[tilespmem:$0x18CA0] =	vst v63  }
0x93: {  	s17 =	sadd.s32 $0x1, s17;
	_ =	swait.ge [sflag:s13], $0xC380  }
0x94: {  	p0 =	sne.s32 s17, s6;
	[sflag:s13] =	ssyncset.done $0x0  }
.Ltmp4:
0x95: {  	[sflag:s13] =	ssyncadd.s32 $0xFFFF3C80;
	(pc) =	sbr.rel @p0 .LBB2_1-.Ltmp4, $4  }
0x96: {  	[hbm4b:s9+s3] =	stream.linear.scatter [tilespmem:s12], [sflag:$0x2], $0xC380, $0x38;
	[tilespmem:$0x18CA0] =	vst v63  }
0x97: {  	_ =	swait.ge [sflag:s13], $0xC380  }
0x98: {  	[sflag:s13] =	ssyncset.done $0x0  }
0x99: {  	[sflag:s13] =	ssyncadd.s32 $0xFFFF3C80  }
0x9a: {  	_ =	sfence.sel $0x180000  }
0x9b: {  	[bflag:$0x0] =	sbarrier.arrive $0xFFFF  }
0x9c: {  	p0 =	sne.s32 s1, $0x0;
	_ =	strace $0x9000004D  }
0x9d: {  	s0 =	sadd.s32 @!p0 $0x100000, s0;
	[bflag:$0x2] =	sbarrier.arrive $0xFFFF  }
0x9e: {  	[sflag:s0] =	ssyncadd.tile.s32 @!p0 $0x1;
	_ =	shalt  }
.Lfunc_end2:
_tile_overlayer_lowered:
.L_overlay_start_2:
0x9f: {  	(tag) =	ssettag $0x2  }
0xa0: {  	s0 =	rddreg [dreg:$0x0];
	s2 =	stileid.u32  }
0xa1: {  	s1 =	rddreg [dreg:$0x1];
	p0 =	sne.s32 s2, $0x0  }
0xa2: {  	s3 =	rddreg [dreg:$0x2];
	[bflag:$0x3] =	sbarrier.arrive $0xFFFF;
	s2 =	simm.s32 @!p0 $0x1C02  }
0xa3: {  	[timem:s3], [sflag:s2] =	dma.local @!p0 [hbm:s0], s1  }
0xa4: {  	s0 =	simm.s32 @!p0 $0x2  }
0xa5: {  	_ =	swait.ge @!p0 [sflag:s0], s1  }
0xa6: {  	s1 =	ssub.s32 @!p0 $0x0, s1;
	[sflag:s0] =	ssyncset.done @!p0 $0x0  }
0xa7: {  	[sflag:s0] =	ssyncadd.s32 @!p0 s1  }
0xa8: {  	[bflag:$0x3] =	sbarrier.arrive $0xFFFF  }
0xa9: {  	_ =	shalt  }

// kernel: kernel.8.cloned.1.call-start
scs
__scs_entry_jumppad:
0x0: {  	(pc) =	sbr.rel $0x88, $3  }
0x1: {  	(tag) =	ssettag $0x0;
	lr =	simm.s32 $0x1  }
0x2: {  	[smem:$0x3F98] =	sst lr;
	_ =	strace $0xD0000000  }
0x3: {  	_ = 	snop  }
0x4: {  	_ = 	snop  }
0x5: {  	_ = 	snop  }
0x6: {  	_ = 	snop  }
0x7: {  	_ = 	snop  }
__scs_overlays_trampoline_lowered:
0x8: {  	[smem:$0x3FA7] =	sst s0  }
0x9: {  	[smem:$0x3FA8] =	sst s1  }
0xa: {  	[smem:$0x3FA9] =	sst s2  }
0xb: {  	[smem:$0x3FAA] =	sst s3  }
0xc: {  	[smem:$0x3FAB] =	sst s4  }
0xd: {  	[smem:$0x3FAC] =	sst s5  }
0xe: {  	[smem:$0x3FAD] =	sst s6  }
0xf: {  	[smem:$0x3FAE] =	sst s7  }
0x10: {  	[smem:$0x3FAF] =	sst s8  }
0x11: {  	[smem:$0x3FB0] =	sst s9;
	s0 =	simm.s32 @!p0 $0x0  }
0x12: {  	s1 =	sld [smem:$0x3F96];
	s0 =	simm.s32 @p0 $0x1  }
0x13: {  	[smem:$0x3FB1] =	sst s0;
	s0 =	simm.s32 @!p1 $0x0  }
0x14: {  	s2 =	sld [smem:$0x3F95];
	s0 =	simm.s32 @p1 $0x1  }
0x15: {  	[smem:$0x3FB2] =	sst s0;
	s0 =	simm.s32 @!p2 $0x0  }
0x16: {  	s3 =	sld [smem:$0x3FDB];
	s0 =	simm.s32 @p2 $0x1  }
0x17: {  	s4 =	simm.s32 $0x1BF5;
	[smem:$0x3FB4] =	sst s0  }
0x18: {  	s0 =	sld [smem:$0x3F97];
	_ =	swait.ge [sflag:s4], $0x0  }
0x19: {  	s7 =	sld [smem:$0x3F98]  }
0x1a: {  	s8 =	sadd.s32 $0xFFFFE003, lr  }
0x1b: {  	s9 =	sadd.s32 $0xFFFFFEF7, lr;
	s5 =	simm.s32 $0xFFFFFFFF;
	p2 =	slt.u32 s8, $0xFFFFF086  }
0x1c: {  	p1 =	slt.u32 s9, $0xF7A;
	s5 =	simm.s32 @!p2 $0x0  }
0x1d: {  	s5 =	simm.s32 @p1 $0x1;
	p0 =	seq.s32 s7, s2  }
0x1e: {  	s7 =	smul.u32 @!p0 $0xF7A, s2;
	p2 =	seq.s32 @!p0 s5, $0x0  }
0x1f: {  	s9 =	smul.u32 $0xF7A, s1;
	s8 =	simm.s32 @!p0 $0x1BF5;
	p2 =	por !p2, p0  }
0x20: {  	[sflag:s8] =	ssyncset.s32 @!p0 $0xFFFFF086;
	s6 =	sadd.s32 @!p0 s3, s7;
	s7 =	simm.s32 @!p0 $0x108  }
0x21: {  	s3 =	sadd.s32 s3, s9;
	s6 =	sadd.s32 @!p0 $0x88, s6;
	s7 =	simm.s32 @p2 $0x1082  }
0x22: {  	[simem:s7], [sflag:s8] =	dma.local @!p0 [hbm:s6], $0xF7A  }
0x23: {  	s9 =	sor.u32 $0xD0000000, s2;
	s6 =	simm.s32 $0x108;
	_ =	swait.ge @!p0 [sflag:s8], $0x0  }
0x24: {  	s3 =	sadd.s32 $0x88, s3;
	s6 =	simm.s32 @!p1 $0x1082;
	[sflag:s4] =	ssyncset.s32 $0xFFFFF086  }
0x25: {  	[simem:s6], [sflag:s4] =	dma.local [hbm:s3], $0xF7A  }
0x26: {  	[smem:$0x3F98] =	sst s1;
	(tag) =	ssettag s2;
	_ =	strace s9  }
0x27: {  	s1 =	sld [smem:$0x3FA8]  }
0x28: {  	s2 =	sld [smem:$0x3FA9]  }
0x29: {  	s4 =	sld [smem:$0x3FAB]  }
0x2a: {  	p0 =	seq.s32 s5, $0x0;
	s5 =	sld [smem:$0x3FAC]  }
0x2b: {  	s6 =	sld [smem:$0x3FAD]  }
0x2c: {  	s7 =	sld [smem:$0x3FAE]  }
0x2d: {  	s3 =	simm.s32 $0x108;
	s8 =	sld [smem:$0x3FAF]  }
0x2e: {  	s3 =	simm.s32 @!p0 $0x1082;
	s9 =	sld [smem:$0x3FB0]  }
0x2f: {  	lr =	sadd.s32 s0, s3;
	s0 =	sld [smem:$0x3FA7]  }
0x30: {  	s3 =	sld [smem:$0x3FAA]  }
0x31: {  	[smem:$0x3FB3] =	sst s10  }
0x32: {  	s10 =	sld [smem:$0x3FB1];
	_ =	sdelay $0x3  }
0x33: {  	p0 =	seq.s32 s10, $0x1;
	s10 =	sld [smem:$0x3FB3];
	_ =	sdelay $0x3  }
0x34: {  	[smem:$0x3FB3] =	sst s10  }
0x35: {  	s10 =	sld [smem:$0x3FB2];
	_ =	sdelay $0x3  }
0x36: {  	p1 =	seq.s32 s10, $0x1;
	s10 =	sld [smem:$0x3FB3];
	_ =	sdelay $0x3  }
0x37: {  	[smem:$0x3FB3] =	sst s10  }
0x38: {  	s10 =	sld [smem:$0x3FB4]  }
0x39: {  	_ = 	snop;
	(pc) =	sbr.ind lr, $3  }
0x3a: {  	_ = 	snop  }
0x3b: {  	_ = 	snop  }
0x3c: {  	p2 =	seq.s32 s10, $0x1;
	s10 =	sld [smem:$0x3FB3]  }
0x3d: {  	_ =	shalt  }
0x3e: {  	_ =	shalt  }
0x3f: {  	_ =	shalt  }
0x40: {  	_ =	shalt  }
0x41: {  	_ =	shalt  }
0x42: {  	_ =	shalt  }
0x43: {  	_ =	shalt  }
0x44: {  	_ =	shalt  }
0x45: {  	_ =	shalt  }
0x46: {  	_ =	shalt  }
0x47: {  	_ =	shalt  }
0x48: {  	_ =	shalt  }
0x49: {  	_ =	shalt  }
0x4a: {  	_ =	shalt  }
0x4b: {  	_ =	shalt  }
0x4c: {  	_ =	shalt  }
0x4d: {  	_ =	shalt  }
0x4e: {  	_ =	shalt  }
0x4f: {  	_ =	shalt  }
0x50: {  	_ =	shalt  }
0x51: {  	_ =	shalt  }
0x52: {  	_ =	shalt  }
0x53: {  	_ =	shalt  }
0x54: {  	_ =	shalt  }
0x55: {  	_ =	shalt  }
0x56: {  	_ =	shalt  }
0x57: {  	_ =	shalt  }
0x58: {  	_ =	shalt  }
0x59: {  	_ =	shalt  }
0x5a: {  	_ =	shalt  }
0x5b: {  	_ =	shalt  }
0x5c: {  	_ =	shalt  }
0x5d: {  	_ =	shalt  }
0x5e: {  	_ =	shalt  }
0x5f: {  	_ =	shalt  }
0x60: {  	_ =	shalt  }
0x61: {  	_ =	shalt  }
0x62: {  	_ =	shalt  }
0x63: {  	_ =	shalt  }
0x64: {  	_ =	shalt  }
0x65: {  	_ =	shalt  }
0x66: {  	_ =	shalt  }
0x67: {  	_ =	shalt  }
0x68: {  	_ =	shalt  }
0x69: {  	_ =	shalt  }
0x6a: {  	_ =	shalt  }
0x6b: {  	_ =	shalt  }
0x6c: {  	_ =	shalt  }
0x6d: {  	_ =	shalt  }
0x6e: {  	_ =	shalt  }
0x6f: {  	_ =	shalt  }
0x70: {  	_ =	shalt  }
0x71: {  	_ =	shalt  }
0x72: {  	_ =	shalt  }
0x73: {  	_ =	shalt  }
0x74: {  	_ =	shalt  }
0x75: {  	_ =	shalt  }
0x76: {  	_ =	shalt  }
0x77: {  	_ =	shalt  }
0x78: {  	_ =	shalt  }
0x79: {  	_ =	shalt  }
0x7a: {  	_ =	shalt  }
0x7b: {  	_ =	shalt  }
0x7c: {  	_ =	shalt  }
0x7d: {  	_ =	shalt  }
0x7e: {  	_ =	shalt  }
0x7f: {  	_ =	shalt  }
0x80: {  	_ =	shalt  }
0x81: {  	_ =	shalt  }
0x82: {  	_ =	shalt  }
0x83: {  	_ =	shalt  }
0x84: {  	_ =	shalt  }
0x85: {  	_ =	shalt  }
0x86: {  	_ =	shalt  }
0x87: {  	_ =	shalt  }
.Lfunc_end0:
.L_simem_size_0:
called_computation_lowered:
.L_overlay_start_0:
0x88: {  	s2 =	sld [smem:$0x3FD9]  }
0x89: {  	s3 =	sld [smem:$0x3FFE];
	_ =	sdelay $0x1  }
0x8a: {  	s1 =	srdreg.scid  }
0x8b: {  	s0 =	sand.u32 $0x1, s1  }
0x8c: {  	s17 =	sshll.u32 s0, $0xA;
	s2 =	sadd.s32 s3, s2  }
0x8d: {  	s2 =	sadd.s32 s2, s17  }
0x8e: {  	[smem:$0x3FBF] =	sst s2  }
0x8f: {  	_ = 	snop  }
0x90: {  	s2 =	sld [smem:$0x3FD0];
	(tm) =	ssettm $0x1  }
0x91: {  	s18 =	sld [smem:$0x3FFB];
	_ =	sdelay $0x3  }
0x92: {  	_ =	strace s18  }
0x93: {  	s3 =	sld [smem:$0x3FFC];
	_ =	sdelay $0x3  }
0x94: {  	_ =	strace s3  }
0x95: {  	s3 =	sld [smem:$0x3FFD];
	_ =	sdelay $0x3  }
0x96: {  	_ =	strace s3  }
0x97: {  	_ =	strace $0x8FFFFFFF  }
0x98: {  	s19 =	sld [smem:$0x3FDB];
	_ =	sdelay $0x1  }
0x99: {  	s4 =	simm.s32 $_scs_section_size  }
0x9a: {  	s5 =	simm.s32 $_size__tile_overlayer_lowered;
	s6 =	simm.s32 $_tile_overlayer_lowered  }
0x9b: {  	s22 =	simm.s32 $0x1BFF;
	s21 =	sshll.u32 s6, $0x1;
	s3 =	sadd.s32 s4, s19  }
0x9c: {  	s7 =	simm.s32 $0x0;
	s20 =	sshll.u32 s5, $0x1;
	s5 =	sadd.s32 s21, s3  }
0x9d: {  	[timem:s7], [sflag:s22] =	dma.local [hbm:s5], s20  }
0x9e: {  	_ =	swait.ge [sflag:s22], s20  }
0x9f: {  	s4 =	ssub.s32 $0x0, s20;
	[sflag:s22] =	ssyncset.done $0x0  }
0xa0: {  	[sflag:s22] =	ssyncadd.s32 s4;
	_ =	sdelay $0x1  }
0xa1: {  	s23 =	simm.s32 $0x1B8B  }
0xa2: {  	_ =	swait.ge [sflag:s23], $0x1  }
0xa3: {  	[sflag:s23] =	ssyncset.done $0x0  }
0xa4: {  	s25 =	simm.s32 $0x1B8E;
	s24 =	sld [smem:$0x3FFE];
	[sflag:s23] =	ssyncadd.s32 $0xFFFFFFFF  }
0xa5: {  	s26 =	simm.s32 $execute0_lowered;
	[smem:$0x3FD2] =	sst s25  }
0xa6: {  	s5 =	sshll.u32 s26, $0x1;
	_ =	strace $0x80000046;
	[dreg:$0x1] =	wrdreg $0xFFFFFFFF  }
0xa7: {  	s28 =	simm.s32 $_size_execute0_lowered;
	s3 =	sadd.s32 s3, s5;
	[dreg:$0x0] =	wrdreg $0x0  }
0xa8: {  	s5 =	sshll.u32 s28, $0x1;
	[dreg:$0x2] =	wrdreg s3  }
0xa9: {  	[dreg:$0x3] =	wrdreg s5  }
0xaa: {  	[dreg:$0x4] =	wrdreg $0xC0  }
0xab: {  	_ =	task [dreg:s7], $0x5FFFF  }
0xac: {  	[dreg:$0x1] =	wrdreg $0xFFFFFFFF  }
0xad: {  	[dreg:$0x0] =	wrdreg $0x60  }
0xae: {  	[dreg:$0x2] =	wrdreg s24  }
0xaf: {  	[dreg:$0x3] =	wrdreg s2  }
0xb0: {  	[dreg:$0x4] =	wrdreg $0xC900  }
0xb1: {  	[dreg:$0x5] =	wrdreg $0x9  }
0xb2: {  	_ =	task.clear_ibuf [dreg:s7], $0x6FFFF;
	_ =	strace $0x90000046  }
0xb3: {  	s29 =	simm.s32 $0x9;
	_ =	strace $0x80000048  }
0xb4: {  	_ =	swait.ge [sflag:s29], $0x1  }
0xb5: {  	[sflag:s29] =	ssyncadd.s32 $0xFFFFFFFF  }
0xb6: {  	_ =	strace $0x90000048  }
0xb7: {  	_ =	sfence  }
0xb8: {  	s30 =	sld [smem:$0x0];
	_ =	sdelay $0x2  }
0xb9: {  	s31 =	sshll.u32 s1, $0xD;
	s1 =	sshrl.u32 s1, $0x2  }
0xba: {  	s3 =	sand.u32 $0x4000, s31;
	s1 =	sadd.s32 s1, s30  }
0xbb: {  	s0 =	sor.u32 s3, s0;
	s1 =	sshll.u32 s1, $0x11  }
0xbc: {  	s0 =	sor.u32 s1, s0  }
0xbd: {  	s0 =	sadd.s32 $0x8F2B, s0  }
0xbe: {  	[sflag:s0] =	ssyncadd.remote.s32 $0x1  }
0xbf: {  	_ =	sfence.sel $0xFFFF  }
0xc0: {  	[dreg:$0x0] =	wrdreg $0xFFFFFFFF;
	(pc) =	sbr.abs _section_cstart, $3  }
0xc1: {  	[dreg:$0x1] =	wrdreg $0xFFFFFFFF  }
0xc2: {  	_ =	task.clear_ibuf [dreg:s7], $0x2FFFF;
	_ =	strace $0x9FFFFFFF  }
0xc3: {  	(tm) =	ssettm $0x7FFFFFFF  }
tec
execute0_lowered:
.L_overlay_start_1:
0x0: {  	(tag) =	ssettag $0x1  }
0x1: {  	s7 =	rddreg [dreg:$0x0]  }
0x2: {  	s2 =	rddreg [dreg:$0x1]  }
0x3: {  	s3 =	rddreg [dreg:$0x2]  }
0x4: {  	s0 =	srdreg.scid;
	s1 =	rddreg [dreg:$0x3]  }
0x5: {  	s4 =	simm.s32 $0x0;
	s5 =	sand.u32 $0x1, s0;
	s0 =	stileid.u32  }
0x6: {  	s11 =	simm.s32 $0x38E00;
	[smem:$0x7FF] =	sst s4;
	s6 =	smul.u32 $0x61A80, s5  }
0x7: {  	s12 =	simm.s32 $0x0;
	s8 =	smul.u32 $0x61A8, s0;
	_ =	strace $0x80000047  }
0x8: {  	s31 =	ssub.s32 $0x2, s5;
	s9 =	smul.u32 $0xC40, s0;
	p0 =	seq.s32 s5, $0x1  }
0x9: {  	s10 =	sshrl.u32 s31, $0x1;
	s11 =	simm.s32 @!p0 $0x37400;
	s6 =	sadd.s32 s8, s6  }
0xa: {  	s5 =	sadd.s32 s9, s3;
	s9 =	sshrl.u32 s9, $0x3;
	s6 =	sshrl.u32 s6, $0x3  }
0xb: {  	s30 =	sadd.s32 s6, s7;
	s6 =	ssub.s32 s31, s10;
	s7 =	sadd.s32 s11, s7  }
0xc: {  	s10 =	simm.s32 $0x1;
	s11 =	simm.s32 $0x28;
	s6 =	smax.u32 s6, $0x1  }
0xd: {  	v0 =	vimm.f32 $0.0e+00;
	s7 =	sadd.s32 s7, s9;
	s8 =	sadd.s32 $0x1EC00, s30;
	s9 =	simm.s32 $0x50  }
.LBB2_1:
0xe: {  	s13 =	simm.s32 $0x40;
	s14 =	simm.s32 $0x0  }
.LBB2_2:
0xf: {  	p0 =	sne.s32 s13, $0x30C0;
	[tilespmem:s14+$0x50] =	vst v0;
	s14 =	smov.u32 s13;
	s13 =	sadd.s32 $0x40, s13  }
.Ltmp0:
0x10: {  	(pc) =	sbr.rel @p0 .LBB2_2-.Ltmp0, $2  }
0x11: {  	_ =	sdelay $0x2  }
0x12: {  	s14 =	sshra.s32 s14, $0x2  }
0x13: {  	[tilespmem:s14+$0x50] =	vst v0  }
0x14: {  	[spmem:s5] =	stream.linear.scatter [tilespmem:s9], [sflag:$0x1], $0xC40, $0x38;
	[tilespmem:$0x18D0] =	vst v63  }
0x15: {  	_ =	swait.ge [sflag:s10], $0xC40  }
0x16: {  	[sflag:s10] =	ssyncset.done $0x0  }
0x17: {  	s13 =	simm.s32 $0x0;
	[sflag:s10] =	ssyncadd.s32 $0xFFFFF3C0  }
0x18: {  	[tilespmem:s11], [sflag:$0x1] =	stream.linear.gather [hbm4b:s2+s13], $0x28, $0x38;
	[tilespmem:$0x18D0] =	vst v63  }
0x19: {  	_ =	swait.ge [sflag:s10], $0x28  }
0x1a: {  	[sflag:s10] =	ssyncset.done $0x0  }
0x1b: {  	[sflag:s10] =	ssyncadd.s32 $0xFFFFFFD8  }
0x1c: {  	s31 =	sadd.s32 $0x0, s8;
	[bflag:$0x0] =	sbarrier.arrive $0xFFFF  }
0x1d: {  	[tilespmem:s4], [sflag:$0x1] =	stream.linear.gather [hbm4b:s31+s4], $0x28, $0x38;
	[tilespmem:$0x18D0] =	vst v63  }
0x1e: {  	_ =	swait.ge [sflag:s10], $0x28  }
0x1f: {  	[sflag:s10] =	ssyncset.done $0x0  }
0x20: {  	[sflag:s10] =	ssyncadd.s32 $0xFFFFFFD8  }
0x21: {  	[spmem:s3] =	stream.indirect.scatter.add.f32 [tilespmem:s11], [sflag:$0x1], $0x1, s4, s11, $0xb8;
	[tilespmem:$0x18D0] =	vst v63  }
0x22: {  	_ =	swait.ge [sflag:s10], $0x28  }
0x23: {  	s14 =	simm.s32 $0xA;
	s13 =	simm.s32 $0x5;
	[sflag:s10] =	ssyncset.done $0x0  }
.LBB2_4:
0x24: {  	s15 =	sadd.s32 s13, s8  }
0x25: {  	[sflag:s10] =	ssyncadd.s32 $0xFFFFFFD8;
	s13 =	smov.u32 s14;
	s16 =	sadd.s32 $0x5, s14  }
0x26: {  	[tilespmem:s4], [sflag:$0x1] =	stream.linear.gather [hbm4b:s15+s4], $0x28, $0x38;
	[tilespmem:$0x18D0] =	vst v63  }
0x27: {  	p0 =	sne.s32 s14, $0xC30;
	_ =	swait.ge [sflag:s10], $0x28  }
.Ltmp1:
0x28: {  	[sflag:s10] =	ssyncset.done $0x0;
	(pc) =	sbr.rel @p0 .LBB2_4-.Ltmp1, $4  }
0x29: {  	[sflag:s10] =	ssyncadd.s32 $0xFFFFFFD8  }
0x2a: {  	[spmem:s3] =	stream.indirect.scatter.add.f32 [tilespmem:s11], [sflag:$0x1], $0x1, s4, s11, $0xb8;
	[tilespmem:$0x18D0] =	vst v63  }
0x2b: {  	_ =	swait.ge [sflag:s10], $0x28  }
0x2c: {  	s14 =	smov.u32 s16;
	[sflag:s10] =	ssyncset.done $0x0  }
0x2d: {  	s13 =	sadd.s32 s13, s8;
	[sflag:s10] =	ssyncadd.s32 $0xFFFFFFD8  }
0x2e: {  	[tilespmem:s4], [sflag:$0x1] =	stream.linear.gather [hbm4b:s13+s4], $0x28, $0x38;
	[tilespmem:$0x18D0] =	vst v63  }
0x2f: {  	_ =	swait.ge [sflag:s10], $0x28  }
0x30: {  	[sflag:s10] =	ssyncset.done $0x0  }
0x31: {  	[sflag:s10] =	ssyncadd.s32 $0xFFFFFFD8  }
0x32: {  	[spmem:s3] =	stream.indirect.scatter.add.f32 [tilespmem:s11], [sflag:$0x1], $0x1, s4, s11, $0xb8;
	[tilespmem:$0x18D0] =	vst v63  }
0x33: {  	_ =	swait.ge [sflag:s10], $0x28  }
0x34: {  	[sflag:s10] =	ssyncset.done $0x0  }
0x35: {  	[sflag:s10] =	ssyncadd.s32 $0xFFFFFFD8  }
0x36: {  	[bflag:$0x0] =	sbarrier.arrive $0xFFFF  }
0x37: {  	[tilespmem:s9], [sflag:$0x1] =	stream.linear.gather [spmem:s5], $0xC40, $0x38;
	[tilespmem:$0x18D0] =	vst v63  }
0x38: {  	s12 =	sadd.s32 $0x1, s12;
	_ =	swait.ge [sflag:s10], $0xC40  }
0x39: {  	p0 =	sne.s32 s12, s6;
	[sflag:s10] =	ssyncset.done $0x0  }
.Ltmp2:
0x3a: {  	[sflag:s10] =	ssyncadd.s32 $0xFFFFF3C0;
	(pc) =	sbr.rel @p0 .LBB2_1-.Ltmp2, $4  }
0x3b: {  	[hbm4b:s7+s4] =	stream.linear.scatter [tilespmem:s9], [sflag:$0x1], $0xC40, $0x38;
	[tilespmem:$0x18D0] =	vst v63  }
0x3c: {  	_ =	swait.ge [sflag:s10], $0xC40  }
0x3d: {  	[sflag:s10] =	ssyncset.done $0x0  }
0x3e: {  	[sflag:s10] =	ssyncadd.s32 $0xFFFFF3C0  }
0x3f: {  	_ =	sfence.sel $0x180000  }
0x40: {  	[bflag:$0x0] =	sbarrier.arrive $0xFFFF  }
0x41: {  	p0 =	sne.s32 s0, $0x0;
	_ =	strace $0x90000047  }
0x42: {  	s0 =	sadd.s32 @!p0 $0x100000, s1;
	[bflag:$0x2] =	sbarrier.arrive $0xFFFF  }
0x43: {  	[sflag:s0] =	ssyncadd.tile.s32 @!p0 $0x1;
	_ =	shalt  }
.Lfunc_end2:
_tile_overlayer_lowered:
.L_overlay_start_2:
0x44: {  	(tag) =	ssettag $0x2  }
0x45: {  	s0 =	rddreg [dreg:$0x0];
	s2 =	stileid.u32  }
0x46: {  	s1 =	rddreg [dreg:$0x1];
	p0 =	sne.s32 s2, $0x0  }
0x47: {  	s3 =	rddreg [dreg:$0x2];
	[bflag:$0x3] =	sbarrier.arrive $0xFFFF;
	s2 =	simm.s32 @!p0 $0x1C01  }
0x48: {  	[timem:s3], [sflag:s2] =	dma.local @!p0 [hbm:s0], s1  }
0x49: {  	s0 =	simm.s32 @!p0 $0x1  }
0x4a: {  	_ =	swait.ge @!p0 [sflag:s0], s1  }
0x4b: {  	s1 =	ssub.s32 @!p0 $0x0, s1;
	[sflag:s0] =	ssyncset.done @!p0 $0x0  }
0x4c: {  	[sflag:s0] =	ssyncadd.s32 @!p0 s1  }
0x4d: {  	[bflag:$0x3] =	sbarrier.arrive $0xFFFF  }
0x4e: {  	_ =	shalt  }

</sc_bundles>
